<compile_context>
chip_gen: v7x
topology: tpu7x:2x2x1
jax: 0.10.2.dev20260603
libtpu: 0.0.44.dev20260713+nightly
codegen_flags: <defaults>
</compile_context>

<pallas_src>
import functools

import jax
import jax.numpy as jnp
from jax import lax
from jax.experimental import pallas as pl
from jax.experimental.pallas import tpu as pltpu
from jax.experimental.pallas import tpu_sc as plsc

N_NODES = 10000
N_PAD = 10240
N_CHUNKS = 2500
CHUNK = 128
MAX_CHUNKS = 79
ROWS_PER_TILE = N_PAD // 16

_mesh = plsc.VectorSubcoreMesh(core_axis_name="c", subcore_axis_name="s")
_sc_params = pltpu.CompilerParams(use_tc_tiling_on_sc=False,
                                  needs_layout_passes=False)


def _tile_chunks(w):
    n = jnp.where(w < 4, 79, 78)
    off = 78 * w + jnp.minimum(w, 4)
    lo = jnp.where(w < 4, 0, 1)
    return n, off - lo, lo


@functools.partial(
    pl.kernel,
    mesh=_mesh,
    out_type=jax.ShapeDtypeStruct((2, N_PAD, 16), jnp.float32),
    scratch_types=[
        pltpu.VMEM((MAX_CHUNKS, CHUNK), jnp.int32),
        pltpu.VMEM((CHUNK,), jnp.float32),
        pltpu.VMEM((ROWS_PER_TILE,), jnp.float32),
        pltpu.VMEM((ROWS_PER_TILE, 16), jnp.float32),
        pltpu.VMEM_SHARED((N_PAD,), jnp.float32),
    ],
    compiler_params=_sc_params,
)
def _deg_kernel(edges_hbm, part_hbm, idxd, ones_v, stage, stage2d, acc):
    c = lax.axis_index("c")
    s = lax.axis_index("s")
    w = c * 16 + s
    n, win, lo = _tile_chunks(w)
    pltpu.sync_copy(edges_hbm.at[1, pl.ds(win, MAX_CHUNKS)], idxd)

    def fill_ones(j, carry):
        ones_v[pl.ds(j * 16, 16)] = jnp.ones((16,), jnp.float32)
        return carry

    lax.fori_loop(0, CHUNK // 16, fill_ones, 0)

    def zero_row(j, carry):
        stage[pl.ds(j * 16, 16)] = jnp.zeros((16,), jnp.float32)
        return carry

    lax.fori_loop(0, ROWS_PER_TILE // 16, zero_row, 0)
    pltpu.sync_copy(stage, acc.at[pl.ds(s * ROWS_PER_TILE, ROWS_PER_TILE)])
    plsc.subcore_barrier()

    def body(ch, carry):
        pltpu.sync_copy(ones_v, acc.at[idxd.at[ch]], add=True)
        return carry

    lax.fori_loop(lo, lo + n, body, 0)
    plsc.subcore_barrier()
    pltpu.sync_copy(acc.at[pl.ds(s * ROWS_PER_TILE, ROWS_PER_TILE)], stage)

    def splat(j, carry):
        stage2d[j, :] = plsc.load_gather(stage, [jnp.full((16,), j, jnp.int32)])
        return carry

    lax.fori_loop(0, ROWS_PER_TILE, splat, 0)
    pltpu.sync_copy(stage2d, part_hbm.at[c, pl.ds(s * ROWS_PER_TILE, ROWS_PER_TILE)])


@functools.partial(
    pl.kernel,
    mesh=_mesh,
    out_type=jax.ShapeDtypeStruct((2, N_PAD, 16), jnp.float32),
    scratch_types=[
        pltpu.VMEM((MAX_CHUNKS, CHUNK), jnp.int32),
        pltpu.VMEM((MAX_CHUNKS, CHUNK), jnp.int32),
        pltpu.VMEM((8, CHUNK, 16), jnp.float32),
        pltpu.VMEM((ROWS_PER_TILE, 16), jnp.float32),
        pltpu.VMEM_SHARED((N_PAD, 16), jnp.float32),
        pltpu.SemaphoreType.DMA,
        pltpu.SemaphoreType.DMA,
    ],
    compiler_params=_sc_params,
)
def _agg_kernel(edges_hbm, g_hbm, part_hbm, idxs, idxd, rows, stage, acc,
                sem_g, sem_s):
    c = lax.axis_index("c")
    s = lax.axis_index("s")
    w = c * 16 + s
    n, win, lo = _tile_chunks(w)
    pltpu.sync_copy(edges_hbm.at[0, pl.ds(win, MAX_CHUNKS)], idxs)
    pltpu.sync_copy(edges_hbm.at[1, pl.ds(win, MAX_CHUNKS)], idxd)

    def zero_row(j, carry):
        stage[j, :] = jnp.zeros((16,), jnp.float32)
        return carry

    lax.fori_loop(0, ROWS_PER_TILE, zero_row, 0)
    pltpu.sync_copy(stage, acc.at[pl.ds(s * ROWS_PER_TILE, ROWS_PER_TILE)])
    plsc.subcore_barrier()

    for b in range(4):
        ch0 = lo + b
        pltpu.async_copy(g_hbm.at[idxs.at[ch0]], rows.at[ch0 % 8], sem_g)

    def body(ch, carry):
        slot = ch % 8
        pltpu.make_async_copy(g_hbm.at[idxs.at[ch]], rows.at[slot], sem_g).wait()
        pltpu.async_copy(rows.at[slot], acc.at[idxd.at[ch]], sem_s, add=True)

        @pl.when(ch + 4 < lo + n)
        def _():
            nslot = (ch + 4) % 8

            @pl.when(ch >= lo + 4)
            def _():
                pltpu.make_async_copy(rows.at[nslot], acc.at[idxd.at[ch - 4]],
                                      sem_s).wait()

            pltpu.async_copy(g_hbm.at[idxs.at[ch + 4]], rows.at[nslot], sem_g)

        return carry

    lax.fori_loop(lo, lo + n, body, 0)

    def drain(i, carry):
        pltpu.make_async_copy(rows.at[i], acc.at[idxd.at[lo]], sem_s).wait()
        return carry

    lax.fori_loop(0, 8, drain, 0)
    plsc.subcore_barrier()
    pltpu.sync_copy(acc.at[pl.ds(s * ROWS_PER_TILE, ROWS_PER_TILE)], stage)
    pltpu.sync_copy(stage, part_hbm.at[c, pl.ds(s * ROWS_PER_TILE, ROWS_PER_TILE)])


NR = N_PAD // 8
NRV = N_NODES // 8


def _tc1(x_ref, w_ref, degp_ref, g_ref, dis_ref):
    deg = degp_ref[0] + degp_ref[1] + 1.0
    dis = lax.rsqrt(deg)
    h = jnp.dot(x_ref[...], w_ref[...], preferred_element_type=jnp.float32)
    g_ref[:NRV, :] = h * dis[:NRV]
    g_ref[NRV:, :] = jnp.zeros((NR - NRV, 128), jnp.float32)
    dis_ref[...] = dis


def _tc2(p_ref, g1_ref, dis_ref, w2_ref, b1_ref, g2_ref):
    z = dis_ref[...] * (p_ref[0] + p_ref[1] + g1_ref[...]) + b1_ref[...]
    a = jnp.maximum(z, 0.0)
    h2 = jnp.dot(a, w2_ref[...], preferred_element_type=jnp.float32)
    g2_ref[...] = h2 * dis_ref[...]


def _tc3(p_ref, g2_ref, dis_ref, b2_ref, o_ref):
    z = (dis_ref[:NRV] * (p_ref[0, :NRV] + p_ref[1, :NRV]
                          + g2_ref[:NRV]) + b2_ref[...])
    o_ref[...] = jax.nn.sigmoid(z)


def kernel(x, edge_index, W1, b1, W2, b2):
    f32 = jnp.float32
    edges3d = edge_index.astype(jnp.int32).reshape(2, N_CHUNKS, CHUNK)
    x128 = x.reshape(NRV, 8 * 128)
    eye8 = jnp.eye(8, dtype=f32)
    w1big = jnp.kron(eye8, W1)
    w2big = jnp.kron(eye8, W2)
    b1t = jnp.tile(b1, 8).reshape(1, 128)
    b2t = jnp.tile(b2, 8).reshape(1, 128)

    degp = _deg_kernel(edges3d).reshape(2, NR, 128)

    g1p, dis = pl.pallas_call(
        _tc1,
        out_shape=[
            jax.ShapeDtypeStruct((NR, 128), f32),
            jax.ShapeDtypeStruct((NR, 128), f32),
        ],
    )(x128, w1big, degp)

    p1 = _agg_kernel(edges3d, g1p.reshape(N_PAD, 16)).reshape(2, NR, 128)

    g2p = pl.pallas_call(
        _tc2,
        out_shape=jax.ShapeDtypeStruct((NR, 128), f32),
    )(p1, g1p, dis, w2big, b1t)

    p2 = _agg_kernel(edges3d, g2p.reshape(N_PAD, 16)).reshape(2, NR, 128)

    out = pl.pallas_call(
        _tc3,
        out_shape=jax.ShapeDtypeStruct((NRV, 128), f32),
    )(p2, g2p, dis, b2t)
    return out.reshape(N_NODES, 16)

# --- scband reference (transcript-rebuilt; emitter-appended) ---
"""Pipeline reference for scband-graph-neural-network-25013889531943 (READ-ONLY COPY).

The authoritative reference and input builder live on the scoring server;
editing this copy changes nothing except your own understanding.
"""

import jax, jax.numpy as jnp
import numpy as np

N_NODES = 10000
N_EDGES = 320000
D_FEAT = 128
D_HIDDEN = 16
N_CLASSES = 16


def gcn_conv(x, edge_index, W, b):
    # Faithful GCNConv: add self-loops, symmetric normalization, linear transform,
    # scatter-add aggregation, bias.
    num_nodes = x.shape[0]
    src = edge_index[0]
    dst = edge_index[1]
    loop = jnp.arange(num_nodes, dtype=edge_index.dtype)
    src = jnp.concatenate([src, loop])
    dst = jnp.concatenate([dst, loop])
    deg = jnp.zeros((num_nodes,), dtype=x.dtype).at[dst].add(1.0)
    deg_inv_sqrt = jnp.where(deg > 0, deg ** -0.5, 0.0)
    norm = deg_inv_sqrt[src] * deg_inv_sqrt[dst]
    h = x @ W
    msg = h[src] * norm[:, None]
    out = jnp.zeros((num_nodes, W.shape[1]), dtype=x.dtype).at[dst].add(msg)
    return out + b


def setup_inputs(seed: int = 0) -> dict:
    key = jax.random.key(seed)
    k1, k2, k3, k4 = jax.random.split(key, 4)
    x = jax.random.normal(k1, (N_NODES, D_FEAT), dtype=jnp.float32)
    edge_index = jax.random.randint(k2, (2, N_EDGES), 0, N_NODES, dtype=jnp.int64)
    W1 = jax.random.normal(k3, (D_FEAT, D_HIDDEN), dtype=jnp.float32) * (1.0 / np.sqrt(D_FEAT))
    b1 = jnp.zeros((D_HIDDEN,), dtype=jnp.float32)
    W2 = jax.random.normal(k4, (D_HIDDEN, N_CLASSES), dtype=jnp.float32) * (1.0 / np.sqrt(D_HIDDEN))
    b2 = jnp.zeros((N_CLASSES,), dtype=jnp.float32)
    return {"x": x, "edge_index": edge_index, "W1": W1, "b1": b1, "W2": W2, "b2": b2}


def reference(x, edge_index, W1, b1, W2, b2):
    h = gcn_conv(x, edge_index, W1, b1)
    h = jax.nn.relu(h)
    # dropout is identity in eval mode (self.training=False)
    out = gcn_conv(h, edge_index, W2, b2)
    return jax.nn.sigmoid(out)

if __name__ == "__main__":
    import jax
    _d = setup_inputs()
    print(jax.jit(kernel)(*tuple(_d.values())))

</pallas_src>

<mosaic_0001>
#map = affine_map<(d0, d1) -> (0, 0, 0)>
module attributes {stable_mosaic.version = 14 : i64} {
  func.func @_deg_kernel(%arg0: i32, %arg1: i32, %arg2: memref<2x2500x128xi32, #tpu.memory_space<hbm>>, %arg3: memref<2x10240x16xf32, #tpu.memory_space<hbm>>, %arg4: memref<79x128xi32, #tpu.memory_space<vmem>>, %arg5: memref<128xf32, #tpu.memory_space<vmem>>, %arg6: memref<640xf32, #tpu.memory_space<vmem>>, %arg7: memref<640x16xf32, #tpu.memory_space<vmem>>, %arg8: memref<10240xf32, #tpu.memory_space<vmem_shared>>) attributes {dimension_semantics = [#tpu.dimension_semantics<core_parallel>, #tpu.dimension_semantics<subcore_parallel>], iteration_bounds = array<i64: 2, 16>, scalar_prefetch = 0 : i64, scratch_operands = 5 : i64, tpu.core_type = #tpu.core_type<sc_vector_subcore>, window_params = [{transform_indices = #map}, {transform_indices = #map}]} {
    %mul3A = arith.constant 16 : i32
    %mul3A_0 = arith.muli %arg0, %mul3A : i32
    %add3A = arith.addi %mul3A_0, %arg1 : i32
    %lt3A = arith.constant 4 : i32
    %lt3A_1 = arith.cmpi slt, %add3A, %lt3A : i32
    %jit3A = arith.constant 79 : i32
    %jit3A_2 = arith.constant 78 : i32
    %select_n3A = arith.select %lt3A_1, %jit3A, %jit3A_2 : i32
    %mul3A_3 = arith.constant 78 : i32
    %mul3A_4 = arith.muli %mul3A_3, %add3A : i32
    %min3A = arith.constant 4 : i32
    %min3A_5 = arith.minsi %add3A, %min3A : i32
    %add3A_6 = arith.addi %mul3A_4, %min3A_5 : i32
    %lt3A_7 = arith.constant 4 : i32
    %lt3A_8 = arith.cmpi slt, %add3A, %lt3A_7 : i32
    %jit3A_9 = arith.constant 0 : i32
    %jit3A_10 = arith.constant 1 : i32
    %select_n3A_11 = arith.select %lt3A_8, %jit3A_9, %jit3A_10 : i32
    %sub3A = arith.subi %add3A_6, %select_n3A_11 : i32
    %run_scoped3A = arith.constant 1 : i32
    "tpu.region"() ({
      %run_scoped3A_45 = tpu.sem_alloc : memref<!tpu.dma_semaphore, #tpu.memory_space<semaphore_mem>>
      %dma_start3A = arith.constant 0 : i32
      %dma_start3A_46 = tpu.memref_slice %arg2[%run_scoped3A, %sub3A, %dma_start3A] : memref<2x2500x128xi32, #tpu.memory_space<hbm>> -> memref<1x79x128xi32, #tpu.memory_space<hbm>>
      %dma_start3A_47 = tpu.memref_squeeze %dma_start3A_46 : memref<1x79x128xi32, #tpu.memory_space<hbm>> -> memref<79x128xi32, #tpu.memory_space<hbm>>
      %dma_start3A_48 = arith.constant 0 : i32
      %dma_start3A_49 = tpu.memref_slice %arg2[%run_scoped3A, %sub3A, %dma_start3A_48] : memref<2x2500x128xi32, #tpu.memory_space<hbm>> -> memref<1x79x128xi32, #tpu.memory_space<hbm>>
      %dma_start3A_50 = tpu.memref_squeeze %dma_start3A_49 : memref<1x79x128xi32, #tpu.memory_space<hbm>> -> memref<79x128xi32, #tpu.memory_space<hbm>>
      tpu.enqueue_dma source(%dma_start3A_50 : memref<79x128xi32, #tpu.memory_space<hbm>>) target(%arg4 : memref<79x128xi32, #tpu.memory_space<vmem>>) target_semaphore(%run_scoped3A_45 : memref<!tpu.dma_semaphore, #tpu.memory_space<semaphore_mem>>)
      %dma_wait3A = arith.constant 0 : i32
      %dma_wait3A_51 = tpu.memref_slice %arg2[%run_scoped3A, %sub3A, %dma_wait3A] : memref<2x2500x128xi32, #tpu.memory_space<hbm>> -> memref<1x79x128xi32, #tpu.memory_space<hbm>>
      %dma_wait3A_52 = tpu.memref_squeeze %dma_wait3A_51 : memref<1x79x128xi32, #tpu.memory_space<hbm>> -> memref<79x128xi32, #tpu.memory_space<hbm>>
      %dma_wait3A_53 = arith.constant 0 : i32
      %dma_wait3A_54 = tpu.memref_slice %arg2[%run_scoped3A, %sub3A, %dma_wait3A_53] : memref<2x2500x128xi32, #tpu.memory_space<hbm>> -> memref<1x79x128xi32, #tpu.memory_space<hbm>>
      %dma_wait3A_55 = tpu.memref_squeeze %dma_wait3A_54 : memref<1x79x128xi32, #tpu.memory_space<hbm>> -> memref<79x128xi32, #tpu.memory_space<hbm>>
      tpu.wait_dma2 semaphore(%run_scoped3A_45 : memref<!tpu.dma_semaphore, #tpu.memory_space<semaphore_mem>>) src(%dma_wait3A_55 : memref<79x128xi32, #tpu.memory_space<hbm>>) dst(%arg4 : memref<79x128xi32, #tpu.memory_space<vmem>>)
      tpu.yield
    }) : () -> ()
    %scan3A = arith.constant 0 : i32
    %scan3A_12 = arith.constant 0 : i32
    %scan3A_13 = arith.constant 8 : i32
    %scan3A_14 = arith.addi %scan3A_12, %scan3A_13 : i32
    %scan3A_15 = arith.constant 1 : i32
    scf.for %scan3A_45 = %scan3A_12 to %scan3A_14 step %scan3A_15  : i32 {
      %broadcast_in_dim3A = arith.constant 1.000000e+00 : f32
      %broadcast_in_dim3A_46 = vector.broadcast %broadcast_in_dim3A : f32 to vector<16xf32>
      %mul3A_47 = arith.constant 16 : i32
      %mul3A_48 = arith.muli %scan3A_45, %mul3A_47 : i32
      %swap3A = arith.index_cast %mul3A_48 : i32 to index
      %swap3A_49 = tpu.vector_load %arg5[%swap3A] {strides = array<i32>} : memref<128xf32, #tpu.memory_space<vmem>>, vector<16xf32>,
      tpu.vector_store %arg5[%swap3A], %broadcast_in_dim3A_46 {strides = array<i32>} : memref<128xf32, #tpu.memory_space<vmem>>, vector<16xf32>,
    }
    %scan3A_16 = arith.constant 8 : i32
    %scan3A_17 = arith.constant 0 : i32
    %scan3A_18 = arith.constant 0 : i32
    %scan3A_19 = arith.constant 40 : i32
    %scan3A_20 = arith.addi %scan3A_18, %scan3A_19 : i32
    %scan3A_21 = arith.constant 1 : i32
    scf.for %scan3A_45 = %scan3A_18 to %scan3A_20 step %scan3A_21  : i32 {
      %broadcast_in_dim3A = arith.constant 0.000000e+00 : f32
      %broadcast_in_dim3A_46 = vector.broadcast %broadcast_in_dim3A : f32 to vector<16xf32>
      %mul3A_47 = arith.constant 16 : i32
      %mul3A_48 = arith.muli %scan3A_45, %mul3A_47 : i32
      %swap3A = arith.index_cast %mul3A_48 : i32 to index
      %swap3A_49 = tpu.vector_load %arg6[%swap3A] {strides = array<i32>} : memref<640xf32, #tpu.memory_space<vmem>>, vector<16xf32>,
      tpu.vector_store %arg6[%swap3A], %broadcast_in_dim3A_46 {strides = array<i32>} : memref<640xf32, #tpu.memory_space<vmem>>, vector<16xf32>,
    }
    %scan3A_22 = arith.constant 40 : i32
    %mul3A_23 = arith.constant 640 : i32
    %mul3A_24 = arith.muli %arg1, %mul3A_23 : i32
    "tpu.region"() ({
      %run_scoped3A_45 = tpu.sem_alloc : memref<!tpu.dma_semaphore, #tpu.memory_space<semaphore_mem>>
      %dma_start3A = tpu.memref_slice %arg8[%mul3A_24] : memref<10240xf32, #tpu.memory_space<vmem_shared>> -> memref<640xf32, #tpu.memory_space<vmem_shared>>
      %dma_start3A_46 = tpu.memref_slice %arg8[%mul3A_24] : memref<10240xf32, #tpu.memory_space<vmem_shared>> -> memref<640xf32, #tpu.memory_space<vmem_shared>>
      tpu.enqueue_dma source(%arg6 : memref<640xf32, #tpu.memory_space<vmem>>) target(%dma_start3A_46 : memref<640xf32, #tpu.memory_space<vmem_shared>>) target_semaphore(%run_scoped3A_45 : memref<!tpu.dma_semaphore, #tpu.memory_space<semaphore_mem>>)
      %dma_wait3A = tpu.memref_slice %arg8[%mul3A_24] : memref<10240xf32, #tpu.memory_space<vmem_shared>> -> memref<640xf32, #tpu.memory_space<vmem_shared>>
      %dma_wait3A_47 = tpu.memref_slice %arg8[%mul3A_24] : memref<10240xf32, #tpu.memory_space<vmem_shared>> -> memref<640xf32, #tpu.memory_space<vmem_shared>>
      tpu.wait_dma2 semaphore(%run_scoped3A_45 : memref<!tpu.dma_semaphore, #tpu.memory_space<semaphore_mem>>) src(%arg6 : memref<640xf32, #tpu.memory_space<vmem>>) dst(%dma_wait3A_47 : memref<640xf32, #tpu.memory_space<vmem_shared>>)
      tpu.yield
    }) : () -> ()
    %barrier3A = arith.constant 0 : index
    tpu.barrier barrier_id(%barrier3A)
    %add3A_25 = arith.addi %select_n3A_11, %select_n3A : i32
    %while3A = arith.constant 0 : i32
    %while3A_26 = arith.subi %add3A_25, %select_n3A_11 : i32
    %while3A_27 = arith.addi %select_n3A_11, %while3A_26 : i32
    %while3A_28 = arith.constant 1 : i32
    %while3A_29 = arith.divsi %while3A_26, %while3A_28 : i32
    %while3A_30 = arith.muli %while3A_29, %while3A_28 : i32
    %while3A_31 = arith.addi %select_n3A_11, %while3A_30 : i32
    %while3A_32 = arith.constant 1 : i32
    scf.for %while3A_45 = %select_n3A_11 to %while3A_31 step %while3A_32  : i32 {
      "tpu.region"() ({
        %run_scoped3A_46 = tpu.sem_alloc : memref<!tpu.dma_semaphore, #tpu.memory_space<semaphore_mem>>
        %dma_start3A = arith.constant 0 : i32
        %dma_start3A_47 = tpu.memref_slice %arg4[%while3A_45, %dma_start3A] : memref<79x128xi32, #tpu.memory_space<vmem>> -> memref<1x128xi32, #tpu.memory_space<vmem>>
        %dma_start3A_48 = tpu.memref_squeeze %dma_start3A_47 : memref<1x128xi32, #tpu.memory_space<vmem>> -> memref<128xi32, #tpu.memory_space<vmem>>
        %dma_start3A_49 = arith.constant 0 : i32
        %dma_start3A_50 = tpu.memref_slice %arg8[%dma_start3A_49] : memref<10240xf32, #tpu.memory_space<vmem_shared>> -> memref<10240xf32, #tpu.memory_space<vmem_shared>>
        tpu.enqueue_indirect_dma source(%arg5 : memref<128xf32, #tpu.memory_space<vmem>>) target(%dma_start3A_50 : memref<10240xf32, #tpu.memory_space<vmem_shared>>) offsets(%dma_start3A_48 : memref<128xi32, #tpu.memory_space<vmem>>) semaphore(%run_scoped3A_46 : memref<!tpu.dma_semaphore, #tpu.memory_space<semaphore_mem>>) {add = true}
        %dma_wait3A = arith.constant 0 : i32
        %dma_wait3A_51 = tpu.memref_slice %arg4[%while3A_45, %dma_wait3A] : memref<79x128xi32, #tpu.memory_space<vmem>> -> memref<1x128xi32, #tpu.memory_space<vmem>>
        %dma_wait3A_52 = tpu.memref_squeeze %dma_wait3A_51 : memref<1x128xi32, #tpu.memory_space<vmem>> -> memref<128xi32, #tpu.memory_space<vmem>>
        %dma_wait3A_53 = arith.constant 0 : i32
        %dma_wait3A_54 = tpu.memref_slice %arg8[%dma_wait3A_53] : memref<10240xf32, #tpu.memory_space<vmem_shared>> -> memref<10240xf32, #tpu.memory_space<vmem_shared>>
        tpu.wait_indirect_dma semaphore(%run_scoped3A_46 : memref<!tpu.dma_semaphore, #tpu.memory_space<semaphore_mem>>) src(%arg5 : memref<128xf32, #tpu.memory_space<vmem>>) dst(%dma_wait3A_54 : memref<10240xf32, #tpu.memory_space<vmem_shared>>)
        tpu.yield
      }) : () -> ()
    }
    %while3A_33 = arith.constant 1 : i32
    scf.for %while3A_45 = %while3A_31 to %while3A_27 step %while3A_33  : i32 {
      "tpu.region"() ({
        %run_scoped3A_46 = tpu.sem_alloc : memref<!tpu.dma_semaphore, #tpu.memory_space<semaphore_mem>>
        %dma_start3A = arith.constant 0 : i32
        %dma_start3A_47 = tpu.memref_slice %arg4[%while3A_45, %dma_start3A] : memref<79x128xi32, #tpu.memory_space<vmem>> -> memref<1x128xi32, #tpu.memory_space<vmem>>
        %dma_start3A_48 = tpu.memref_squeeze %dma_start3A_47 : memref<1x128xi32, #tpu.memory_space<vmem>> -> memref<128xi32, #tpu.memory_space<vmem>>
        %dma_start3A_49 = arith.constant 0 : i32
        %dma_start3A_50 = tpu.memref_slice %arg8[%dma_start3A_49] : memref<10240xf32, #tpu.memory_space<vmem_shared>> -> memref<10240xf32, #tpu.memory_space<vmem_shared>>
        tpu.enqueue_indirect_dma source(%arg5 : memref<128xf32, #tpu.memory_space<vmem>>) target(%dma_start3A_50 : memref<10240xf32, #tpu.memory_space<vmem_shared>>) offsets(%dma_start3A_48 : memref<128xi32, #tpu.memory_space<vmem>>) semaphore(%run_scoped3A_46 : memref<!tpu.dma_semaphore, #tpu.memory_space<semaphore_mem>>) {add = true}
        %dma_wait3A = arith.constant 0 : i32
        %dma_wait3A_51 = tpu.memref_slice %arg4[%while3A_45, %dma_wait3A] : memref<79x128xi32, #tpu.memory_space<vmem>> -> memref<1x128xi32, #tpu.memory_space<vmem>>
        %dma_wait3A_52 = tpu.memref_squeeze %dma_wait3A_51 : memref<1x128xi32, #tpu.memory_space<vmem>> -> memref<128xi32, #tpu.memory_space<vmem>>
        %dma_wait3A_53 = arith.constant 0 : i32
        %dma_wait3A_54 = tpu.memref_slice %arg8[%dma_wait3A_53] : memref<10240xf32, #tpu.memory_space<vmem_shared>> -> memref<10240xf32, #tpu.memory_space<vmem_shared>>
        tpu.wait_indirect_dma semaphore(%run_scoped3A_46 : memref<!tpu.dma_semaphore, #tpu.memory_space<semaphore_mem>>) src(%arg5 : memref<128xf32, #tpu.memory_space<vmem>>) dst(%dma_wait3A_54 : memref<10240xf32, #tpu.memory_space<vmem_shared>>)
        tpu.yield
      }) : () -> ()
    }
    %barrier3A_34 = arith.constant 0 : index
    tpu.barrier barrier_id(%barrier3A_34)
    %mul3A_35 = arith.constant 640 : i32
    %mul3A_36 = arith.muli %arg1, %mul3A_35 : i32
    "tpu.region"() ({
      %run_scoped3A_45 = tpu.sem_alloc : memref<!tpu.dma_semaphore, #tpu.memory_space<semaphore_mem>>
      %dma_start3A = tpu.memref_slice %arg8[%mul3A_36] : memref<10240xf32, #tpu.memory_space<vmem_shared>> -> memref<640xf32, #tpu.memory_space<vmem_shared>>
      %dma_start3A_46 = tpu.memref_slice %arg8[%mul3A_36] : memref<10240xf32, #tpu.memory_space<vmem_shared>> -> memref<640xf32, #tpu.memory_space<vmem_shared>>
      tpu.enqueue_dma source(%dma_start3A_46 : memref<640xf32, #tpu.memory_space<vmem_shared>>) target(%arg6 : memref<640xf32, #tpu.memory_space<vmem>>) target_semaphore(%run_scoped3A_45 : memref<!tpu.dma_semaphore, #tpu.memory_space<semaphore_mem>>)
      %dma_wait3A = tpu.memref_slice %arg8[%mul3A_36] : memref<10240xf32, #tpu.memory_space<vmem_shared>> -> memref<640xf32, #tpu.memory_space<vmem_shared>>
      %dma_wait3A_47 = tpu.memref_slice %arg8[%mul3A_36] : memref<10240xf32, #tpu.memory_space<vmem_shared>> -> memref<640xf32, #tpu.memory_space<vmem_shared>>
      tpu.wait_dma2 semaphore(%run_scoped3A_45 : memref<!tpu.dma_semaphore, #tpu.memory_space<semaphore_mem>>) src(%dma_wait3A_47 : memref<640xf32, #tpu.memory_space<vmem_shared>>) dst(%arg6 : memref<640xf32, #tpu.memory_space<vmem>>)
      tpu.yield
    }) : () -> ()
    %scan3A_37 = arith.constant 0 : i32
    %scan3A_38 = arith.constant 0 : i32
    %scan3A_39 = arith.constant 640 : i32
    %scan3A_40 = arith.addi %scan3A_38, %scan3A_39 : i32
    %scan3A_41 = arith.constant 1 : i32
    scf.for %scan3A_45 = %scan3A_38 to %scan3A_40 step %scan3A_41  : i32 {
      %broadcast_in_dim3A = vector.broadcast %scan3A_45 : i32 to vector<16xi32>
      %gather3A = tpu.vector_load_idx %arg6[%broadcast_in_dim3A] : memref<640xf32, #tpu.memory_space<vmem>>[vector<16xi32>], vector<16xf32>,
      %swap3A = arith.index_cast %scan3A_45 : i32 to index
      %swap3A_46 = arith.constant 0 : index
      %swap3A_47 = tpu.vector_load %arg7[%swap3A, %swap3A_46] {strides = array<i32>} : memref<640x16xf32, #tpu.memory_space<vmem>>, vector<16xf32>,
      tpu.vector_store %arg7[%swap3A, %swap3A_46], %gather3A {strides = array<i32>} : memref<640x16xf32, #tpu.memory_space<vmem>>, vector<16xf32>,
    }
    %scan3A_42 = arith.constant 640 : i32
    %mul3A_43 = arith.constant 640 : i32
    %mul3A_44 = arith.muli %arg1, %mul3A_43 : i32
    "tpu.region"() ({
      %run_scoped3A_45 = tpu.sem_alloc : memref<!tpu.dma_semaphore, #tpu.memory_space<semaphore_mem>>
      %dma_start3A = arith.constant 0 : i32
      %dma_start3A_46 = tpu.memref_slice %arg3[%arg0, %mul3A_44, %dma_start3A] : memref<2x10240x16xf32, #tpu.memory_space<hbm>> -> memref<1x640x16xf32, #tpu.memory_space<hbm>>
      %dma_start3A_47 = tpu.memref_squeeze %dma_start3A_46 : memref<1x640x16xf32, #tpu.memory_space<hbm>> -> memref<640x16xf32, #tpu.memory_space<hbm>>
      %dma_start3A_48 = arith.constant 0 : i32
      %dma_start3A_49 = tpu.memref_slice %arg3[%arg0, %mul3A_44, %dma_start3A_48] : memref<2x10240x16xf32, #tpu.memory_space<hbm>> -> memref<1x640x16xf32, #tpu.memory_space<hbm>>
      %dma_start3A_50 = tpu.memref_squeeze %dma_start3A_49 : memref<1x640x16xf32, #tpu.memory_space<hbm>> -> memref<640x16xf32, #tpu.memory_space<hbm>>
      tpu.enqueue_dma source(%arg7 : memref<640x16xf32, #tpu.memory_space<vmem>>) target(%dma_start3A_50 : memref<640x16xf32, #tpu.memory_space<hbm>>) target_semaphore(%run_scoped3A_45 : memref<!tpu.dma_semaphore, #tpu.memory_space<semaphore_mem>>)
      %dma_wait3A = arith.constant 0 : i32
      %dma_wait3A_51 = tpu.memref_slice %arg3[%arg0, %mul3A_44, %dma_wait3A] : memref<2x10240x16xf32, #tpu.memory_space<hbm>> -> memref<1x640x16xf32, #tpu.memory_space<hbm>>
      %dma_wait3A_52 = tpu.memref_squeeze %dma_wait3A_51 : memref<1x640x16xf32, #tpu.memory_space<hbm>> -> memref<640x16xf32, #tpu.memory_space<hbm>>
      %dma_wait3A_53 = arith.constant 0 : i32
      %dma_wait3A_54 = tpu.memref_slice %arg3[%arg0, %mul3A_44, %dma_wait3A_53] : memref<2x10240x16xf32, #tpu.memory_space<hbm>> -> memref<1x640x16xf32, #tpu.memory_space<hbm>>
      %dma_wait3A_55 = tpu.memref_squeeze %dma_wait3A_54 : memref<1x640x16xf32, #tpu.memory_space<hbm>> -> memref<640x16xf32, #tpu.memory_space<hbm>>
      tpu.wait_dma2 semaphore(%run_scoped3A_45 : memref<!tpu.dma_semaphore, #tpu.memory_space<semaphore_mem>>) src(%arg7 : memref<640x16xf32, #tpu.memory_space<vmem>>) dst(%dma_wait3A_55 : memref<640x16xf32, #tpu.memory_space<hbm>>)
      tpu.yield
    }) : () -> ()
    return
  }
}

#map = affine_map<(d0, d1) -> (0, 0, 0)>
#map1 = affine_map<(d0, d1) -> (0, 0)>
module attributes {stable_mosaic.version = 14 : i64} {
  func.func @_agg_kernel(%arg0: i32, %arg1: i32, %arg2: memref<2x2500x128xi32, #tpu.memory_space<hbm>>, %arg3: memref<10240x16xf32, #tpu.memory_space<hbm>>, %arg4: memref<2x10240x16xf32, #tpu.memory_space<hbm>>, %arg5: memref<79x128xi32, #tpu.memory_space<vmem>>, %arg6: memref<79x128xi32, #tpu.memory_space<vmem>>, %arg7: memref<8x128x16xf32, #tpu.memory_space<vmem>>, %arg8: memref<640x16xf32, #tpu.memory_space<vmem>>, %arg9: memref<10240x16xf32, #tpu.memory_space<vmem_shared>>, %arg10: memref<!tpu.dma_semaphore, #tpu.memory_space<semaphore_mem>>, %arg11: memref<!tpu.dma_semaphore, #tpu.memory_space<semaphore_mem>>) attributes {dimension_semantics = [#tpu.dimension_semantics<core_parallel>, #tpu.dimension_semantics<subcore_parallel>], iteration_bounds = array<i64: 2, 16>, scalar_prefetch = 0 : i64, scratch_operands = 7 : i64, tpu.core_type = #tpu.core_type<sc_vector_subcore>, window_params = [{transform_indices = #map}, {transform_indices = #map1}, {transform_indices = #map}]} {
    %mul3A = arith.constant 16 : i32
    %mul3A_0 = arith.muli %arg0, %mul3A : i32
    %add3A = arith.addi %mul3A_0, %arg1 : i32
    %lt3A = arith.constant 4 : i32
    %lt3A_1 = arith.cmpi slt, %add3A, %lt3A : i32
    %jit3A = arith.constant 79 : i32
    %jit3A_2 = arith.constant 78 : i32
    %select_n3A = arith.select %lt3A_1, %jit3A, %jit3A_2 : i32
    %mul3A_3 = arith.constant 78 : i32
    %mul3A_4 = arith.muli %mul3A_3, %add3A : i32
    %min3A = arith.constant 4 : i32
    %min3A_5 = arith.minsi %add3A, %min3A : i32
    %add3A_6 = arith.addi %mul3A_4, %min3A_5 : i32
    %lt3A_7 = arith.constant 4 : i32
    %lt3A_8 = arith.cmpi slt, %add3A, %lt3A_7 : i32
    %jit3A_9 = arith.constant 0 : i32
    %jit3A_10 = arith.constant 1 : i32
    %select_n3A_11 = arith.select %lt3A_8, %jit3A_9, %jit3A_10 : i32
    %sub3A = arith.subi %add3A_6, %select_n3A_11 : i32
    %run_scoped3A = arith.constant 0 : i32
    "tpu.region"() ({
      %run_scoped3A_147 = tpu.sem_alloc : memref<!tpu.dma_semaphore, #tpu.memory_space<semaphore_mem>>
      %dma_start3A_148 = arith.constant 0 : i32
      %dma_start3A_149 = tpu.memref_slice %arg2[%run_scoped3A, %sub3A, %dma_start3A_148] : memref<2x2500x128xi32, #tpu.memory_space<hbm>> -> memref<1x79x128xi32, #tpu.memory_space<hbm>>
      %dma_start3A_150 = tpu.memref_squeeze %dma_start3A_149 : memref<1x79x128xi32, #tpu.memory_space<hbm>> -> memref<79x128xi32, #tpu.memory_space<hbm>>
      %dma_start3A_151 = arith.constant 0 : i32
      %dma_start3A_152 = tpu.memref_slice %arg2[%run_scoped3A, %sub3A, %dma_start3A_151] : memref<2x2500x128xi32, #tpu.memory_space<hbm>> -> memref<1x79x128xi32, #tpu.memory_space<hbm>>
      %dma_start3A_153 = tpu.memref_squeeze %dma_start3A_152 : memref<1x79x128xi32, #tpu.memory_space<hbm>> -> memref<79x128xi32, #tpu.memory_space<hbm>>
      tpu.enqueue_dma source(%dma_start3A_153 : memref<79x128xi32, #tpu.memory_space<hbm>>) target(%arg5 : memref<79x128xi32, #tpu.memory_space<vmem>>) target_semaphore(%run_scoped3A_147 : memref<!tpu.dma_semaphore, #tpu.memory_space<semaphore_mem>>)
      %dma_wait3A = arith.constant 0 : i32
      %dma_wait3A_154 = tpu.memref_slice %arg2[%run_scoped3A, %sub3A, %dma_wait3A] : memref<2x2500x128xi32, #tpu.memory_space<hbm>> -> memref<1x79x128xi32, #tpu.memory_space<hbm>>
      %dma_wait3A_155 = tpu.memref_squeeze %dma_wait3A_154 : memref<1x79x128xi32, #tpu.memory_space<hbm>> -> memref<79x128xi32, #tpu.memory_space<hbm>>
      %dma_wait3A_156 = arith.constant 0 : i32
      %dma_wait3A_157 = tpu.memref_slice %arg2[%run_scoped3A, %sub3A, %dma_wait3A_156] : memref<2x2500x128xi32, #tpu.memory_space<hbm>> -> memref<1x79x128xi32, #tpu.memory_space<hbm>>
      %dma_wait3A_158 = tpu.memref_squeeze %dma_wait3A_157 : memref<1x79x128xi32, #tpu.memory_space<hbm>> -> memref<79x128xi32, #tpu.memory_space<hbm>>
      tpu.wait_dma2 semaphore(%run_scoped3A_147 : memref<!tpu.dma_semaphore, #tpu.memory_space<semaphore_mem>>) src(%dma_wait3A_158 : memref<79x128xi32, #tpu.memory_space<hbm>>) dst(%arg5 : memref<79x128xi32, #tpu.memory_space<vmem>>)
      tpu.yield
    }) : () -> ()
    %run_scoped3A_12 = arith.constant 1 : i32
    "tpu.region"() ({
      %run_scoped3A_147 = tpu.sem_alloc : memref<!tpu.dma_semaphore, #tpu.memory_space<semaphore_mem>>
      %dma_start3A_148 = arith.constant 0 : i32
      %dma_start3A_149 = tpu.memref_slice %arg2[%run_scoped3A_12, %sub3A, %dma_start3A_148] : memref<2x2500x128xi32, #tpu.memory_space<hbm>> -> memref<1x79x128xi32, #tpu.memory_space<hbm>>
      %dma_start3A_150 = tpu.memref_squeeze %dma_start3A_149 : memref<1x79x128xi32, #tpu.memory_space<hbm>> -> memref<79x128xi32, #tpu.memory_space<hbm>>
      %dma_start3A_151 = arith.constant 0 : i32
      %dma_start3A_152 = tpu.memref_slice %arg2[%run_scoped3A_12, %sub3A, %dma_start3A_151] : memref<2x2500x128xi32, #tpu.memory_space<hbm>> -> memref<1x79x128xi32, #tpu.memory_space<hbm>>
      %dma_start3A_153 = tpu.memref_squeeze %dma_start3A_152 : memref<1x79x128xi32, #tpu.memory_space<hbm>> -> memref<79x128xi32, #tpu.memory_space<hbm>>
      tpu.enqueue_dma source(%dma_start3A_153 : memref<79x128xi32, #tpu.memory_space<hbm>>) target(%arg6 : memref<79x128xi32, #tpu.memory_space<vmem>>) target_semaphore(%run_scoped3A_147 : memref<!tpu.dma_semaphore, #tpu.memory_space<semaphore_mem>>)
      %dma_wait3A = arith.constant 0 : i32
      %dma_wait3A_154 = tpu.memref_slice %arg2[%run_scoped3A_12, %sub3A, %dma_wait3A] : memref<2x2500x128xi32, #tpu.memory_space<hbm>> -> memref<1x79x128xi32, #tpu.memory_space<hbm>>
      %dma_wait3A_155 = tpu.memref_squeeze %dma_wait3A_154 : memref<1x79x128xi32, #tpu.memory_space<hbm>> -> memref<79x128xi32, #tpu.memory_space<hbm>>
      %dma_wait3A_156 = arith.constant 0 : i32
      %dma_wait3A_157 = tpu.memref_slice %arg2[%run_scoped3A_12, %sub3A, %dma_wait3A_156] : memref<2x2500x128xi32, #tpu.memory_space<hbm>> -> memref<1x79x128xi32, #tpu.memory_space<hbm>>
      %dma_wait3A_158 = tpu.memref_squeeze %dma_wait3A_157 : memref<1x79x128xi32, #tpu.memory_space<hbm>> -> memref<79x128xi32, #tpu.memory_space<hbm>>
      tpu.wait_dma2 semaphore(%run_scoped3A_147 : memref<!tpu.dma_semaphore, #tpu.memory_space<semaphore_mem>>) src(%dma_wait3A_158 : memref<79x128xi32, #tpu.memory_space<hbm>>) dst(%arg6 : memref<79x128xi32, #tpu.memory_space<vmem>>)
      tpu.yield
    }) : () -> ()
    %scan3A = arith.constant 0 : i32
    %scan3A_13 = arith.constant 0 : i32
    %scan3A_14 = arith.constant 640 : i32
    %scan3A_15 = arith.addi %scan3A_13, %scan3A_14 : i32
    %scan3A_16 = arith.constant 1 : i32
    scf.for %scan3A_147 = %scan3A_13 to %scan3A_15 step %scan3A_16  : i32 {
      %broadcast_in_dim3A = arith.constant 0.000000e+00 : f32
      %broadcast_in_dim3A_148 = vector.broadcast %broadcast_in_dim3A : f32 to vector<16xf32>
      %swap3A = arith.index_cast %scan3A_147 : i32 to index
      %swap3A_149 = arith.constant 0 : index
      %swap3A_150 = tpu.vector_load %arg8[%swap3A, %swap3A_149] {strides = array<i32>} : memref<640x16xf32, #tpu.memory_space<vmem>>, vector<16xf32>,
      tpu.vector_store %arg8[%swap3A, %swap3A_149], %broadcast_in_dim3A_148 {strides = array<i32>} : memref<640x16xf32, #tpu.memory_space<vmem>>, vector<16xf32>,
    }
    %scan3A_17 = arith.constant 640 : i32
    %mul3A_18 = arith.constant 640 : i32
    %mul3A_19 = arith.muli %arg1, %mul3A_18 : i32
    "tpu.region"() ({
      %run_scoped3A_147 = tpu.sem_alloc : memref<!tpu.dma_semaphore, #tpu.memory_space<semaphore_mem>>
      %dma_start3A_148 = arith.constant 0 : i32
      %dma_start3A_149 = tpu.memref_slice %arg9[%mul3A_19, %dma_start3A_148] : memref<10240x16xf32, #tpu.memory_space<vmem_shared>> -> memref<640x16xf32, #tpu.memory_space<vmem_shared>>
      %dma_start3A_150 = arith.constant 0 : i32
      %dma_start3A_151 = tpu.memref_slice %arg9[%mul3A_19, %dma_start3A_150] : memref<10240x16xf32, #tpu.memory_space<vmem_shared>> -> memref<640x16xf32, #tpu.memory_space<vmem_shared>>
      tpu.enqueue_dma source(%arg8 : memref<640x16xf32, #tpu.memory_space<vmem>>) target(%dma_start3A_151 : memref<640x16xf32, #tpu.memory_space<vmem_shared>>) target_semaphore(%run_scoped3A_147 : memref<!tpu.dma_semaphore, #tpu.memory_space<semaphore_mem>>)
      %dma_wait3A = arith.constant 0 : i32
      %dma_wait3A_152 = tpu.memref_slice %arg9[%mul3A_19, %dma_wait3A] : memref<10240x16xf32, #tpu.memory_space<vmem_shared>> -> memref<640x16xf32, #tpu.memory_space<vmem_shared>>
      %dma_wait3A_153 = arith.constant 0 : i32
      %dma_wait3A_154 = tpu.memref_slice %arg9[%mul3A_19, %dma_wait3A_153] : memref<10240x16xf32, #tpu.memory_space<vmem_shared>> -> memref<640x16xf32, #tpu.memory_space<vmem_shared>>
      tpu.wait_dma2 semaphore(%run_scoped3A_147 : memref<!tpu.dma_semaphore, #tpu.memory_space<semaphore_mem>>) src(%arg8 : memref<640x16xf32, #tpu.memory_space<vmem>>) dst(%dma_wait3A_154 : memref<640x16xf32, #tpu.memory_space<vmem_shared>>)
      tpu.yield
    }) : () -> ()
    %barrier3A = arith.constant 0 : index
    tpu.barrier barrier_id(%barrier3A)
    %add3A_20 = arith.constant 0 : i32
    %add3A_21 = arith.addi %select_n3A_11, %add3A_20 : i32
    %jit3A_22 = arith.constant 8 : i32
    %eq3A = arith.constant 0 : i32
    %eq3A_23 = arith.cmpi eq, %jit3A_22, %eq3A : i32
    %jit3A_24 = arith.constant 1 : i32
    %select_n3A_25 = arith.select %eq3A_23, %jit3A_24, %jit3A_22 : i32
    %rem3A = arith.remsi %add3A_21, %select_n3A_25 : i32
    %ne3A = arith.constant 0 : i32
    %ne3A_26 = arith.cmpi ne, %rem3A, %ne3A : i32
    %lt3A_27 = arith.constant 0 : i32
    %lt3A_28 = arith.cmpi slt, %rem3A, %lt3A_27 : i32
    %lt3A_29 = arith.constant 0 : i32
    %lt3A_30 = arith.cmpi slt, %select_n3A_25, %lt3A_29 : i32
    %ne3A_31 = arith.xori %lt3A_28, %lt3A_30 : i1
    %and3A = arith.andi %ne3A_31, %ne3A_26 : i1
    %add3A_32 = arith.addi %rem3A, %select_n3A_25 : i32
    %select_n3A_33 = arith.select %and3A, %add3A_32, %rem3A : i32
    %dma_start3A = arith.constant 0 : i32
    %dma_start3A_34 = arith.constant 0 : i32
    %dma_start3A_35 = tpu.memref_slice %arg7[%select_n3A_33, %dma_start3A, %dma_start3A_34] : memref<8x128x16xf32, #tpu.memory_space<vmem>> -> memref<1x128x16xf32, #tpu.memory_space<vmem>>
    %dma_start3A_36 = tpu.memref_squeeze %dma_start3A_35 : memref<1x128x16xf32, #tpu.memory_space<vmem>> -> memref<128x16xf32, #tpu.memory_space<vmem>>
    %dma_start3A_37 = arith.constant 0 : i32
    %dma_start3A_38 = tpu.memref_slice %arg5[%add3A_21, %dma_start3A_37] : memref<79x128xi32, #tpu.memory_space<vmem>> -> memref<1x128xi32, #tpu.memory_space<vmem>>
    %dma_start3A_39 = tpu.memref_squeeze %dma_start3A_38 : memref<1x128xi32, #tpu.memory_space<vmem>> -> memref<128xi32, #tpu.memory_space<vmem>>
    %dma_start3A_40 = arith.constant 0 : i32
    %dma_start3A_41 = arith.constant 0 : i32
    %dma_start3A_42 = tpu.memref_slice %arg3[%dma_start3A_40, %dma_start3A_41] : memref<10240x16xf32, #tpu.memory_space<hbm>> -> memref<10240x16xf32, #tpu.memory_space<hbm>>
    tpu.enqueue_indirect_dma source(%dma_start3A_42 : memref<10240x16xf32, #tpu.memory_space<hbm>>) target(%dma_start3A_36 : memref<128x16xf32, #tpu.memory_space<vmem>>) offsets(%dma_start3A_39 : memref<128xi32, #tpu.memory_space<vmem>>) semaphore(%arg10 : memref<!tpu.dma_semaphore, #tpu.memory_space<semaphore_mem>>)
    %add3A_43 = arith.constant 1 : i32
    %add3A_44 = arith.addi %select_n3A_11, %add3A_43 : i32
    %jit3A_45 = arith.constant 8 : i32
    %eq3A_46 = arith.constant 0 : i32
    %eq3A_47 = arith.cmpi eq, %jit3A_45, %eq3A_46 : i32
    %jit3A_48 = arith.constant 1 : i32
    %select_n3A_49 = arith.select %eq3A_47, %jit3A_48, %jit3A_45 : i32
    %rem3A_50 = arith.remsi %add3A_44, %select_n3A_49 : i32
    %ne3A_51 = arith.constant 0 : i32
    %ne3A_52 = arith.cmpi ne, %rem3A_50, %ne3A_51 : i32
    %lt3A_53 = arith.constant 0 : i32
    %lt3A_54 = arith.cmpi slt, %rem3A_50, %lt3A_53 : i32
    %lt3A_55 = arith.constant 0 : i32
    %lt3A_56 = arith.cmpi slt, %select_n3A_49, %lt3A_55 : i32
    %ne3A_57 = arith.xori %lt3A_54, %lt3A_56 : i1
    %and3A_58 = arith.andi %ne3A_57, %ne3A_52 : i1
    %add3A_59 = arith.addi %rem3A_50, %select_n3A_49 : i32
    %select_n3A_60 = arith.select %and3A_58, %add3A_59, %rem3A_50 : i32
    %dma_start3A_61 = arith.constant 0 : i32
    %dma_start3A_62 = arith.constant 0 : i32
    %dma_start3A_63 = tpu.memref_slice %arg7[%select_n3A_60, %dma_start3A_61, %dma_start3A_62] : memref<8x128x16xf32, #tpu.memory_space<vmem>> -> memref<1x128x16xf32, #tpu.memory_space<vmem>>
    %dma_start3A_64 = tpu.memref_squeeze %dma_start3A_63 : memref<1x128x16xf32, #tpu.memory_space<vmem>> -> memref<128x16xf32, #tpu.memory_space<vmem>>
    %dma_start3A_65 = arith.constant 0 : i32
    %dma_start3A_66 = tpu.memref_slice %arg5[%add3A_44, %dma_start3A_65] : memref<79x128xi32, #tpu.memory_space<vmem>> -> memref<1x128xi32, #tpu.memory_space<vmem>>
    %dma_start3A_67 = tpu.memref_squeeze %dma_start3A_66 : memref<1x128xi32, #tpu.memory_space<vmem>> -> memref<128xi32, #tpu.memory_space<vmem>>
    %dma_start3A_68 = arith.constant 0 : i32
    %dma_start3A_69 = arith.constant 0 : i32
    %dma_start3A_70 = tpu.memref_slice %arg3[%dma_start3A_68, %dma_start3A_69] : memref<10240x16xf32, #tpu.memory_space<hbm>> -> memref<10240x16xf32, #tpu.memory_space<hbm>>
    tpu.enqueue_indirect_dma source(%dma_start3A_70 : memref<10240x16xf32, #tpu.memory_space<hbm>>) target(%dma_start3A_64 : memref<128x16xf32, #tpu.memory_space<vmem>>) offsets(%dma_start3A_67 : memref<128xi32, #tpu.memory_space<vmem>>) semaphore(%arg10 : memref<!tpu.dma_semaphore, #tpu.memory_space<semaphore_mem>>)
    %add3A_71 = arith.constant 2 : i32
    %add3A_72 = arith.addi %select_n3A_11, %add3A_71 : i32
    %jit3A_73 = arith.constant 8 : i32
    %eq3A_74 = arith.constant 0 : i32
    %eq3A_75 = arith.cmpi eq, %jit3A_73, %eq3A_74 : i32
    %jit3A_76 = arith.constant 1 : i32
    %select_n3A_77 = arith.select %eq3A_75, %jit3A_76, %jit3A_73 : i32
    %rem3A_78 = arith.remsi %add3A_72, %select_n3A_77 : i32
    %ne3A_79 = arith.constant 0 : i32
    %ne3A_80 = arith.cmpi ne, %rem3A_78, %ne3A_79 : i32
    %lt3A_81 = arith.constant 0 : i32
    %lt3A_82 = arith.cmpi slt, %rem3A_78, %lt3A_81 : i32
    %lt3A_83 = arith.constant 0 : i32
    %lt3A_84 = arith.cmpi slt, %select_n3A_77, %lt3A_83 : i32
    %ne3A_85 = arith.xori %lt3A_82, %lt3A_84 : i1
    %and3A_86 = arith.andi %ne3A_85, %ne3A_80 : i1
    %add3A_87 = arith.addi %rem3A_78, %select_n3A_77 : i32
    %select_n3A_88 = arith.select %and3A_86, %add3A_87, %rem3A_78 : i32
    %dma_start3A_89 = arith.constant 0 : i32
    %dma_start3A_90 = arith.constant 0 : i32
    %dma_start3A_91 = tpu.memref_slice %arg7[%select_n3A_88, %dma_start3A_89, %dma_start3A_90] : memref<8x128x16xf32, #tpu.memory_space<vmem>> -> memref<1x128x16xf32, #tpu.memory_space<vmem>>
    %dma_start3A_92 = tpu.memref_squeeze %dma_start3A_91 : memref<1x128x16xf32, #tpu.memory_space<vmem>> -> memref<128x16xf32, #tpu.memory_space<vmem>>
    %dma_start3A_93 = arith.constant 0 : i32
    %dma_start3A_94 = tpu.memref_slice %arg5[%add3A_72, %dma_start3A_93] : memref<79x128xi32, #tpu.memory_space<vmem>> -> memref<1x128xi32, #tpu.memory_space<vmem>>
    %dma_start3A_95 = tpu.memref_squeeze %dma_start3A_94 : memref<1x128xi32, #tpu.memory_space<vmem>> -> memref<128xi32, #tpu.memory_space<vmem>>
    %dma_start3A_96 = arith.constant 0 : i32
    %dma_start3A_97 = arith.constant 0 : i32
    %dma_start3A_98 = tpu.memref_slice %arg3[%dma_start3A_96, %dma_start3A_97] : memref<10240x16xf32, #tpu.memory_space<hbm>> -> memref<10240x16xf32, #tpu.memory_space<hbm>>
    tpu.enqueue_indirect_dma source(%dma_start3A_98 : memref<10240x16xf32, #tpu.memory_space<hbm>>) target(%dma_start3A_92 : memref<128x16xf32, #tpu.memory_space<vmem>>) offsets(%dma_start3A_95 : memref<128xi32, #tpu.memory_space<vmem>>) semaphore(%arg10 : memref<!tpu.dma_semaphore, #tpu.memory_space<semaphore_mem>>)
    %add3A_99 = arith.constant 3 : i32
    %add3A_100 = arith.addi %select_n3A_11, %add3A_99 : i32
    %jit3A_101 = arith.constant 8 : i32
    %eq3A_102 = arith.constant 0 : i32
    %eq3A_103 = arith.cmpi eq, %jit3A_101, %eq3A_102 : i32
    %jit3A_104 = arith.constant 1 : i32
    %select_n3A_105 = arith.select %eq3A_103, %jit3A_104, %jit3A_101 : i32
    %rem3A_106 = arith.remsi %add3A_100, %select_n3A_105 : i32
    %ne3A_107 = arith.constant 0 : i32
    %ne3A_108 = arith.cmpi ne, %rem3A_106, %ne3A_107 : i32
    %lt3A_109 = arith.constant 0 : i32
    %lt3A_110 = arith.cmpi slt, %rem3A_106, %lt3A_109 : i32
    %lt3A_111 = arith.constant 0 : i32
    %lt3A_112 = arith.cmpi slt, %select_n3A_105, %lt3A_111 : i32
    %ne3A_113 = arith.xori %lt3A_110, %lt3A_112 : i1
    %and3A_114 = arith.andi %ne3A_113, %ne3A_108 : i1
    %add3A_115 = arith.addi %rem3A_106, %select_n3A_105 : i32
    %select_n3A_116 = arith.select %and3A_114, %add3A_115, %rem3A_106 : i32
    %dma_start3A_117 = arith.constant 0 : i32
    %dma_start3A_118 = arith.constant 0 : i32
    %dma_start3A_119 = tpu.memref_slice %arg7[%select_n3A_116, %dma_start3A_117, %dma_start3A_118] : memref<8x128x16xf32, #tpu.memory_space<vmem>> -> memref<1x128x16xf32, #tpu.memory_space<vmem>>
    %dma_start3A_120 = tpu.memref_squeeze %dma_start3A_119 : memref<1x128x16xf32, #tpu.memory_space<vmem>> -> memref<128x16xf32, #tpu.memory_space<vmem>>
    %dma_start3A_121 = arith.constant 0 : i32
    %dma_start3A_122 = tpu.memref_slice %arg5[%add3A_100, %dma_start3A_121] : memref<79x128xi32, #tpu.memory_space<vmem>> -> memref<1x128xi32, #tpu.memory_space<vmem>>
    %dma_start3A_123 = tpu.memref_squeeze %dma_start3A_122 : memref<1x128xi32, #tpu.memory_space<vmem>> -> memref<128xi32, #tpu.memory_space<vmem>>
    %dma_start3A_124 = arith.constant 0 : i32
    %dma_start3A_125 = arith.constant 0 : i32
    %dma_start3A_126 = tpu.memref_slice %arg3[%dma_start3A_124, %dma_start3A_125] : memref<10240x16xf32, #tpu.memory_space<hbm>> -> memref<10240x16xf32, #tpu.memory_space<hbm>>
    tpu.enqueue_indirect_dma source(%dma_start3A_126 : memref<10240x16xf32, #tpu.memory_space<hbm>>) target(%dma_start3A_120 : memref<128x16xf32, #tpu.memory_space<vmem>>) offsets(%dma_start3A_123 : memref<128xi32, #tpu.memory_space<vmem>>) semaphore(%arg10 : memref<!tpu.dma_semaphore, #tpu.memory_space<semaphore_mem>>)
    %add3A_127 = arith.addi %select_n3A_11, %select_n3A : i32
    %while3A = arith.constant 0 : i32
    %while3A_128 = arith.subi %add3A_127, %select_n3A_11 : i32
    %while3A_129 = arith.addi %select_n3A_11, %while3A_128 : i32
    %while3A_130 = arith.constant 1 : i32
    %while3A_131 = arith.divsi %while3A_128, %while3A_130 : i32
    %while3A_132 = arith.muli %while3A_131, %while3A_130 : i32
    %while3A_133 = arith.addi %select_n3A_11, %while3A_132 : i32
    %while3A_134 = arith.constant 1 : i32
    scf.for %while3A_147 = %select_n3A_11 to %while3A_133 step %while3A_134  : i32 {
      %jit3A_148 = arith.constant 8 : i32
      %eq3A_149 = arith.constant 0 : i32
      %eq3A_150 = arith.cmpi eq, %jit3A_148, %eq3A_149 : i32
      %jit3A_151 = arith.constant 1 : i32
      %select_n3A_152 = arith.select %eq3A_150, %jit3A_151, %jit3A_148 : i32
      %rem3A_153 = arith.remsi %while3A_147, %select_n3A_152 : i32
      %ne3A_154 = arith.constant 0 : i32
      %ne3A_155 = arith.cmpi ne, %rem3A_153, %ne3A_154 : i32
      %lt3A_156 = arith.constant 0 : i32
      %lt3A_157 = arith.cmpi slt, %rem3A_153, %lt3A_156 : i32
      %lt3A_158 = arith.constant 0 : i32
      %lt3A_159 = arith.cmpi slt, %select_n3A_152, %lt3A_158 : i32
      %ne3A_160 = arith.xori %lt3A_157, %lt3A_159 : i1
      %and3A_161 = arith.andi %ne3A_160, %ne3A_155 : i1
      %add3A_162 = arith.addi %rem3A_153, %select_n3A_152 : i32
      %select_n3A_163 = arith.select %and3A_161, %add3A_162, %rem3A_153 : i32
      %dma_wait3A = arith.constant 0 : i32
      %dma_wait3A_164 = arith.constant 0 : i32
      %dma_wait3A_165 = tpu.memref_slice %arg7[%select_n3A_163, %dma_wait3A, %dma_wait3A_164] : memref<8x128x16xf32, #tpu.memory_space<vmem>> -> memref<1x128x16xf32, #tpu.memory_space<vmem>>
      %dma_wait3A_166 = tpu.memref_squeeze %dma_wait3A_165 : memref<1x128x16xf32, #tpu.memory_space<vmem>> -> memref<128x16xf32, #tpu.memory_space<vmem>>
      %dma_wait3A_167 = arith.constant 0 : i32
      %dma_wait3A_168 = tpu.memref_slice %arg5[%while3A_147, %dma_wait3A_167] : memref<79x128xi32, #tpu.memory_space<vmem>> -> memref<1x128xi32, #tpu.memory_space<vmem>>
      %dma_wait3A_169 = tpu.memref_squeeze %dma_wait3A_168 : memref<1x128xi32, #tpu.memory_space<vmem>> -> memref<128xi32, #tpu.memory_space<vmem>>
      %dma_wait3A_170 = arith.constant 0 : i32
      %dma_wait3A_171 = arith.constant 0 : i32
      %dma_wait3A_172 = tpu.memref_slice %arg3[%dma_wait3A_170, %dma_wait3A_171] : memref<10240x16xf32, #tpu.memory_space<hbm>> -> memref<10240x16xf32, #tpu.memory_space<hbm>>
      tpu.wait_indirect_dma semaphore(%arg10 : memref<!tpu.dma_semaphore, #tpu.memory_space<semaphore_mem>>) src(%dma_wait3A_172 : memref<10240x16xf32, #tpu.memory_space<hbm>>) dst(%dma_wait3A_166 : memref<128x16xf32, #tpu.memory_space<vmem>>)
      %dma_start3A_173 = arith.constant 0 : i32
      %dma_start3A_174 = arith.constant 0 : i32
      %dma_start3A_175 = tpu.memref_slice %arg7[%select_n3A_163, %dma_start3A_173, %dma_start3A_174] : memref<8x128x16xf32, #tpu.memory_space<vmem>> -> memref<1x128x16xf32, #tpu.memory_space<vmem>>
      %dma_start3A_176 = tpu.memref_squeeze %dma_start3A_175 : memref<1x128x16xf32, #tpu.memory_space<vmem>> -> memref<128x16xf32, #tpu.memory_space<vmem>>
      %dma_start3A_177 = arith.constant 0 : i32
      %dma_start3A_178 = tpu.memref_slice %arg6[%while3A_147, %dma_start3A_177] : memref<79x128xi32, #tpu.memory_space<vmem>> -> memref<1x128xi32, #tpu.memory_space<vmem>>
      %dma_start3A_179 = tpu.memref_squeeze %dma_start3A_178 : memref<1x128xi32, #tpu.memory_space<vmem>> -> memref<128xi32, #tpu.memory_space<vmem>>
      %dma_start3A_180 = arith.constant 0 : i32
      %dma_start3A_181 = arith.constant 0 : i32
      %dma_start3A_182 = tpu.memref_slice %arg9[%dma_start3A_180, %dma_start3A_181] : memref<10240x16xf32, #tpu.memory_space<vmem_shared>> -> memref<10240x16xf32, #tpu.memory_space<vmem_shared>>
      tpu.enqueue_indirect_dma source(%dma_start3A_176 : memref<128x16xf32, #tpu.memory_space<vmem>>) target(%dma_start3A_182 : memref<10240x16xf32, #tpu.memory_space<vmem_shared>>) offsets(%dma_start3A_179 : memref<128xi32, #tpu.memory_space<vmem>>) semaphore(%arg11 : memref<!tpu.dma_semaphore, #tpu.memory_space<semaphore_mem>>) {add = true}
      %add3A_183 = arith.constant 4 : i32
      %add3A_184 = arith.addi %while3A_147, %add3A_183 : i32
      %add3A_185 = arith.addi %select_n3A_11, %select_n3A : i32
      %lt3A_186 = arith.cmpi slt, %add3A_184, %add3A_185 : i32
      %convert_element_type3A = arith.extui %lt3A_186 : i1 to i32
      %cond3A = arith.constant 0 : i32
      %cond3A_187 = arith.cmpi ne, %convert_element_type3A, %cond3A : i32
      scf.if %cond3A_187 {
        %add3A_188 = arith.constant 4 : i32
        %add3A_189 = arith.addi %while3A_147, %add3A_188 : i32
        %jit3A_190 = arith.constant 8 : i32
        %eq3A_191 = arith.constant 0 : i32
        %eq3A_192 = arith.cmpi eq, %jit3A_190, %eq3A_191 : i32
        %jit3A_193 = arith.constant 1 : i32
        %select_n3A_194 = arith.select %eq3A_192, %jit3A_193, %jit3A_190 : i32
        %rem3A_195 = arith.remsi %add3A_189, %select_n3A_194 : i32
        %ne3A_196 = arith.constant 0 : i32
        %ne3A_197 = arith.cmpi ne, %rem3A_195, %ne3A_196 : i32
        %lt3A_198 = arith.constant 0 : i32
        %lt3A_199 = arith.cmpi slt, %rem3A_195, %lt3A_198 : i32
        %lt3A_200 = arith.constant 0 : i32
        %lt3A_201 = arith.cmpi slt, %select_n3A_194, %lt3A_200 : i32
        %ne3A_202 = arith.xori %lt3A_199, %lt3A_201 : i1
        %and3A_203 = arith.andi %ne3A_202, %ne3A_197 : i1
        %add3A_204 = arith.addi %rem3A_195, %select_n3A_194 : i32
        %select_n3A_205 = arith.select %and3A_203, %add3A_204, %rem3A_195 : i32
        %add3A_206 = arith.constant 4 : i32
        %add3A_207 = arith.addi %select_n3A_11, %add3A_206 : i32
        %ge3A = arith.cmpi sge, %while3A_147, %add3A_207 : i32
        %convert_element_type3A_208 = arith.extui %ge3A : i1 to i32
        %cond3A_209 = arith.constant 0 : i32
        %cond3A_210 = arith.cmpi ne, %convert_element_type3A_208, %cond3A_209 : i32
        scf.if %cond3A_210 {
          %sub3A_223 = arith.constant 4 : i32
          %sub3A_224 = arith.subi %while3A_147, %sub3A_223 : i32
          %dma_wait3A_225 = arith.constant 0 : i32
          %dma_wait3A_226 = arith.constant 0 : i32
          %dma_wait3A_227 = tpu.memref_slice %arg7[%select_n3A_205, %dma_wait3A_225, %dma_wait3A_226] : memref<8x128x16xf32, #tpu.memory_space<vmem>> -> memref<1x128x16xf32, #tpu.memory_space<vmem>>
          %dma_wait3A_228 = tpu.memref_squeeze %dma_wait3A_227 : memref<1x128x16xf32, #tpu.memory_space<vmem>> -> memref<128x16xf32, #tpu.memory_space<vmem>>
          %dma_wait3A_229 = arith.constant 0 : i32
          %dma_wait3A_230 = tpu.memref_slice %arg6[%sub3A_224, %dma_wait3A_229] : memref<79x128xi32, #tpu.memory_space<vmem>> -> memref<1x128xi32, #tpu.memory_space<vmem>>
          %dma_wait3A_231 = tpu.memref_squeeze %dma_wait3A_230 : memref<1x128xi32, #tpu.memory_space<vmem>> -> memref<128xi32, #tpu.memory_space<vmem>>
          %dma_wait3A_232 = arith.constant 0 : i32
          %dma_wait3A_233 = arith.constant 0 : i32
          %dma_wait3A_234 = tpu.memref_slice %arg9[%dma_wait3A_232, %dma_wait3A_233] : memref<10240x16xf32, #tpu.memory_space<vmem_shared>> -> memref<10240x16xf32, #tpu.memory_space<vmem_shared>>
          tpu.wait_indirect_dma semaphore(%arg11 : memref<!tpu.dma_semaphore, #tpu.memory_space<semaphore_mem>>) src(%dma_wait3A_228 : memref<128x16xf32, #tpu.memory_space<vmem>>) dst(%dma_wait3A_234 : memref<10240x16xf32, #tpu.memory_space<vmem_shared>>)
        } else {
        }
        %add3A_211 = arith.constant 4 : i32
        %add3A_212 = arith.addi %while3A_147, %add3A_211 : i32
        %dma_start3A_213 = arith.constant 0 : i32
        %dma_start3A_214 = arith.constant 0 : i32
        %dma_start3A_215 = tpu.memref_slice %arg7[%select_n3A_205, %dma_start3A_213, %dma_start3A_214] : memref<8x128x16xf32, #tpu.memory_space<vmem>> -> memref<1x128x16xf32, #tpu.memory_space<vmem>>
        %dma_start3A_216 = tpu.memref_squeeze %dma_start3A_215 : memref<1x128x16xf32, #tpu.memory_space<vmem>> -> memref<128x16xf32, #tpu.memory_space<vmem>>
        %dma_start3A_217 = arith.constant 0 : i32
        %dma_start3A_218 = tpu.memref_slice %arg5[%add3A_212, %dma_start3A_217] : memref<79x128xi32, #tpu.memory_space<vmem>> -> memref<1x128xi32, #tpu.memory_space<vmem>>
        %dma_start3A_219 = tpu.memref_squeeze %dma_start3A_218 : memref<1x128xi32, #tpu.memory_space<vmem>> -> memref<128xi32, #tpu.memory_space<vmem>>
        %dma_start3A_220 = arith.constant 0 : i32
        %dma_start3A_221 = arith.constant 0 : i32
        %dma_start3A_222 = tpu.memref_slice %arg3[%dma_start3A_220, %dma_start3A_221] : memref<10240x16xf32, #tpu.memory_space<hbm>> -> memref<10240x16xf32, #tpu.memory_space<hbm>>
        tpu.enqueue_indirect_dma source(%dma_start3A_222 : memref<10240x16xf32, #tpu.memory_space<hbm>>) target(%dma_start3A_216 : memref<128x16xf32, #tpu.memory_space<vmem>>) offsets(%dma_start3A_219 : memref<128xi32, #tpu.memory_space<vmem>>) semaphore(%arg10 : memref<!tpu.dma_semaphore, #tpu.memory_space<semaphore_mem>>)
      } else {
      }
    }
    %while3A_135 = arith.constant 1 : i32
    scf.for %while3A_147 = %while3A_133 to %while3A_129 step %while3A_135  : i32 {
      %jit3A_148 = arith.constant 8 : i32
      %eq3A_149 = arith.constant 0 : i32
      %eq3A_150 = arith.cmpi eq, %jit3A_148, %eq3A_149 : i32
      %jit3A_151 = arith.constant 1 : i32
      %select_n3A_152 = arith.select %eq3A_150, %jit3A_151, %jit3A_148 : i32
      %rem3A_153 = arith.remsi %while3A_147, %select_n3A_152 : i32
      %ne3A_154 = arith.constant 0 : i32
      %ne3A_155 = arith.cmpi ne, %rem3A_153, %ne3A_154 : i32
      %lt3A_156 = arith.constant 0 : i32
      %lt3A_157 = arith.cmpi slt, %rem3A_153, %lt3A_156 : i32
      %lt3A_158 = arith.constant 0 : i32
      %lt3A_159 = arith.cmpi slt, %select_n3A_152, %lt3A_158 : i32
      %ne3A_160 = arith.xori %lt3A_157, %lt3A_159 : i1
      %and3A_161 = arith.andi %ne3A_160, %ne3A_155 : i1
      %add3A_162 = arith.addi %rem3A_153, %select_n3A_152 : i32
      %select_n3A_163 = arith.select %and3A_161, %add3A_162, %rem3A_153 : i32
      %dma_wait3A = arith.constant 0 : i32
      %dma_wait3A_164 = arith.constant 0 : i32
      %dma_wait3A_165 = tpu.memref_slice %arg7[%select_n3A_163, %dma_wait3A, %dma_wait3A_164] : memref<8x128x16xf32, #tpu.memory_space<vmem>> -> memref<1x128x16xf32, #tpu.memory_space<vmem>>
      %dma_wait3A_166 = tpu.memref_squeeze %dma_wait3A_165 : memref<1x128x16xf32, #tpu.memory_space<vmem>> -> memref<128x16xf32, #tpu.memory_space<vmem>>
      %dma_wait3A_167 = arith.constant 0 : i32
      %dma_wait3A_168 = tpu.memref_slice %arg5[%while3A_147, %dma_wait3A_167] : memref<79x128xi32, #tpu.memory_space<vmem>> -> memref<1x128xi32, #tpu.memory_space<vmem>>
      %dma_wait3A_169 = tpu.memref_squeeze %dma_wait3A_168 : memref<1x128xi32, #tpu.memory_space<vmem>> -> memref<128xi32, #tpu.memory_space<vmem>>
      %dma_wait3A_170 = arith.constant 0 : i32
      %dma_wait3A_171 = arith.constant 0 : i32
      %dma_wait3A_172 = tpu.memref_slice %arg3[%dma_wait3A_170, %dma_wait3A_171] : memref<10240x16xf32, #tpu.memory_space<hbm>> -> memref<10240x16xf32, #tpu.memory_space<hbm>>
      tpu.wait_indirect_dma semaphore(%arg10 : memref<!tpu.dma_semaphore, #tpu.memory_space<semaphore_mem>>) src(%dma_wait3A_172 : memref<10240x16xf32, #tpu.memory_space<hbm>>) dst(%dma_wait3A_166 : memref<128x16xf32, #tpu.memory_space<vmem>>)
      %dma_start3A_173 = arith.constant 0 : i32
      %dma_start3A_174 = arith.constant 0 : i32
      %dma_start3A_175 = tpu.memref_slice %arg7[%select_n3A_163, %dma_start3A_173, %dma_start3A_174] : memref<8x128x16xf32, #tpu.memory_space<vmem>> -> memref<1x128x16xf32, #tpu.memory_space<vmem>>
      %dma_start3A_176 = tpu.memref_squeeze %dma_start3A_175 : memref<1x128x16xf32, #tpu.memory_space<vmem>> -> memref<128x16xf32, #tpu.memory_space<vmem>>
      %dma_start3A_177 = arith.constant 0 : i32
      %dma_start3A_178 = tpu.memref_slice %arg6[%while3A_147, %dma_start3A_177] : memref<79x128xi32, #tpu.memory_space<vmem>> -> memref<1x128xi32, #tpu.memory_space<vmem>>
      %dma_start3A_179 = tpu.memref_squeeze %dma_start3A_178 : memref<1x128xi32, #tpu.memory_space<vmem>> -> memref<128xi32, #tpu.memory_space<vmem>>
      %dma_start3A_180 = arith.constant 0 : i32
      %dma_start3A_181 = arith.constant 0 : i32
      %dma_start3A_182 = tpu.memref_slice %arg9[%dma_start3A_180, %dma_start3A_181] : memref<10240x16xf32, #tpu.memory_space<vmem_shared>> -> memref<10240x16xf32, #tpu.memory_space<vmem_shared>>
      tpu.enqueue_indirect_dma source(%dma_start3A_176 : memref<128x16xf32, #tpu.memory_space<vmem>>) target(%dma_start3A_182 : memref<10240x16xf32, #tpu.memory_space<vmem_shared>>) offsets(%dma_start3A_179 : memref<128xi32, #tpu.memory_space<vmem>>) semaphore(%arg11 : memref<!tpu.dma_semaphore, #tpu.memory_space<semaphore_mem>>) {add = true}
      %add3A_183 = arith.constant 4 : i32
      %add3A_184 = arith.addi %while3A_147, %add3A_183 : i32
      %add3A_185 = arith.addi %select_n3A_11, %select_n3A : i32
      %lt3A_186 = arith.cmpi slt, %add3A_184, %add3A_185 : i32
      %convert_element_type3A = arith.extui %lt3A_186 : i1 to i32
      %cond3A = arith.constant 0 : i32
      %cond3A_187 = arith.cmpi ne, %convert_element_type3A, %cond3A : i32
      scf.if %cond3A_187 {
        %add3A_188 = arith.constant 4 : i32
        %add3A_189 = arith.addi %while3A_147, %add3A_188 : i32
        %jit3A_190 = arith.constant 8 : i32
        %eq3A_191 = arith.constant 0 : i32
        %eq3A_192 = arith.cmpi eq, %jit3A_190, %eq3A_191 : i32
        %jit3A_193 = arith.constant 1 : i32
        %select_n3A_194 = arith.select %eq3A_192, %jit3A_193, %jit3A_190 : i32
        %rem3A_195 = arith.remsi %add3A_189, %select_n3A_194 : i32
        %ne3A_196 = arith.constant 0 : i32
        %ne3A_197 = arith.cmpi ne, %rem3A_195, %ne3A_196 : i32
        %lt3A_198 = arith.constant 0 : i32
        %lt3A_199 = arith.cmpi slt, %rem3A_195, %lt3A_198 : i32
        %lt3A_200 = arith.constant 0 : i32
        %lt3A_201 = arith.cmpi slt, %select_n3A_194, %lt3A_200 : i32
        %ne3A_202 = arith.xori %lt3A_199, %lt3A_201 : i1
        %and3A_203 = arith.andi %ne3A_202, %ne3A_197 : i1
        %add3A_204 = arith.addi %rem3A_195, %select_n3A_194 : i32
        %select_n3A_205 = arith.select %and3A_203, %add3A_204, %rem3A_195 : i32
        %add3A_206 = arith.constant 4 : i32
        %add3A_207 = arith.addi %select_n3A_11, %add3A_206 : i32
        %ge3A = arith.cmpi sge, %while3A_147, %add3A_207 : i32
        %convert_element_type3A_208 = arith.extui %ge3A : i1 to i32
        %cond3A_209 = arith.constant 0 : i32
        %cond3A_210 = arith.cmpi ne, %convert_element_type3A_208, %cond3A_209 : i32
        scf.if %cond3A_210 {
          %sub3A_223 = arith.constant 4 : i32
          %sub3A_224 = arith.subi %while3A_147, %sub3A_223 : i32
          %dma_wait3A_225 = arith.constant 0 : i32
          %dma_wait3A_226 = arith.constant 0 : i32
          %dma_wait3A_227 = tpu.memref_slice %arg7[%select_n3A_205, %dma_wait3A_225, %dma_wait3A_226] : memref<8x128x16xf32, #tpu.memory_space<vmem>> -> memref<1x128x16xf32, #tpu.memory_space<vmem>>
          %dma_wait3A_228 = tpu.memref_squeeze %dma_wait3A_227 : memref<1x128x16xf32, #tpu.memory_space<vmem>> -> memref<128x16xf32, #tpu.memory_space<vmem>>
          %dma_wait3A_229 = arith.constant 0 : i32
          %dma_wait3A_230 = tpu.memref_slice %arg6[%sub3A_224, %dma_wait3A_229] : memref<79x128xi32, #tpu.memory_space<vmem>> -> memref<1x128xi32, #tpu.memory_space<vmem>>
          %dma_wait3A_231 = tpu.memref_squeeze %dma_wait3A_230 : memref<1x128xi32, #tpu.memory_space<vmem>> -> memref<128xi32, #tpu.memory_space<vmem>>
          %dma_wait3A_232 = arith.constant 0 : i32
          %dma_wait3A_233 = arith.constant 0 : i32
          %dma_wait3A_234 = tpu.memref_slice %arg9[%dma_wait3A_232, %dma_wait3A_233] : memref<10240x16xf32, #tpu.memory_space<vmem_shared>> -> memref<10240x16xf32, #tpu.memory_space<vmem_shared>>
          tpu.wait_indirect_dma semaphore(%arg11 : memref<!tpu.dma_semaphore, #tpu.memory_space<semaphore_mem>>) src(%dma_wait3A_228 : memref<128x16xf32, #tpu.memory_space<vmem>>) dst(%dma_wait3A_234 : memref<10240x16xf32, #tpu.memory_space<vmem_shared>>)
        } else {
        }
        %add3A_211 = arith.constant 4 : i32
        %add3A_212 = arith.addi %while3A_147, %add3A_211 : i32
        %dma_start3A_213 = arith.constant 0 : i32
        %dma_start3A_214 = arith.constant 0 : i32
        %dma_start3A_215 = tpu.memref_slice %arg7[%select_n3A_205, %dma_start3A_213, %dma_start3A_214] : memref<8x128x16xf32, #tpu.memory_space<vmem>> -> memref<1x128x16xf32, #tpu.memory_space<vmem>>
        %dma_start3A_216 = tpu.memref_squeeze %dma_start3A_215 : memref<1x128x16xf32, #tpu.memory_space<vmem>> -> memref<128x16xf32, #tpu.memory_space<vmem>>
        %dma_start3A_217 = arith.constant 0 : i32
        %dma_start3A_218 = tpu.memref_slice %arg5[%add3A_212, %dma_start3A_217] : memref<79x128xi32, #tpu.memory_space<vmem>> -> memref<1x128xi32, #tpu.memory_space<vmem>>
        %dma_start3A_219 = tpu.memref_squeeze %dma_start3A_218 : memref<1x128xi32, #tpu.memory_space<vmem>> -> memref<128xi32, #tpu.memory_space<vmem>>
        %dma_start3A_220 = arith.constant 0 : i32
        %dma_start3A_221 = arith.constant 0 : i32
        %dma_start3A_222 = tpu.memref_slice %arg3[%dma_start3A_220, %dma_start3A_221] : memref<10240x16xf32, #tpu.memory_space<hbm>> -> memref<10240x16xf32, #tpu.memory_space<hbm>>
        tpu.enqueue_indirect_dma source(%dma_start3A_222 : memref<10240x16xf32, #tpu.memory_space<hbm>>) target(%dma_start3A_216 : memref<128x16xf32, #tpu.memory_space<vmem>>) offsets(%dma_start3A_219 : memref<128xi32, #tpu.memory_space<vmem>>) semaphore(%arg10 : memref<!tpu.dma_semaphore, #tpu.memory_space<semaphore_mem>>)
      } else {
      }
    }
    %scan3A_136 = arith.constant 0 : i32
    %scan3A_137 = arith.constant 0 : i32
    %scan3A_138 = arith.constant 8 : i32
    %scan3A_139 = arith.addi %scan3A_137, %scan3A_138 : i32
    %scan3A_140 = arith.constant 1 : i32
    scf.for %scan3A_147 = %scan3A_137 to %scan3A_139 step %scan3A_140  : i32 {
      %dma_wait3A = arith.constant 0 : i32
      %dma_wait3A_148 = arith.constant 0 : i32
      %dma_wait3A_149 = tpu.memref_slice %arg7[%scan3A_147, %dma_wait3A, %dma_wait3A_148] : memref<8x128x16xf32, #tpu.memory_space<vmem>> -> memref<1x128x16xf32, #tpu.memory_space<vmem>>
      %dma_wait3A_150 = tpu.memref_squeeze %dma_wait3A_149 : memref<1x128x16xf32, #tpu.memory_space<vmem>> -> memref<128x16xf32, #tpu.memory_space<vmem>>
      %dma_wait3A_151 = arith.constant 0 : i32
      %dma_wait3A_152 = tpu.memref_slice %arg6[%select_n3A_11, %dma_wait3A_151] : memref<79x128xi32, #tpu.memory_space<vmem>> -> memref<1x128xi32, #tpu.memory_space<vmem>>
      %dma_wait3A_153 = tpu.memref_squeeze %dma_wait3A_152 : memref<1x128xi32, #tpu.memory_space<vmem>> -> memref<128xi32, #tpu.memory_space<vmem>>
      %dma_wait3A_154 = arith.constant 0 : i32
      %dma_wait3A_155 = arith.constant 0 : i32
      %dma_wait3A_156 = tpu.memref_slice %arg9[%dma_wait3A_154, %dma_wait3A_155] : memref<10240x16xf32, #tpu.memory_space<vmem_shared>> -> memref<10240x16xf32, #tpu.memory_space<vmem_shared>>
      tpu.wait_indirect_dma semaphore(%arg11 : memref<!tpu.dma_semaphore, #tpu.memory_space<semaphore_mem>>) src(%dma_wait3A_150 : memref<128x16xf32, #tpu.memory_space<vmem>>) dst(%dma_wait3A_156 : memref<10240x16xf32, #tpu.memory_space<vmem_shared>>)
    }
    %scan3A_141 = arith.constant 8 : i32
    %barrier3A_142 = arith.constant 0 : index
    tpu.barrier barrier_id(%barrier3A_142)
    %mul3A_143 = arith.constant 640 : i32
    %mul3A_144 = arith.muli %arg1, %mul3A_143 : i32
    "tpu.region"() ({
      %run_scoped3A_147 = tpu.sem_alloc : memref<!tpu.dma_semaphore, #tpu.memory_space<semaphore_mem>>
      %dma_start3A_148 = arith.constant 0 : i32
      %dma_start3A_149 = tpu.memref_slice %arg9[%mul3A_144, %dma_start3A_148] : memref<10240x16xf32, #tpu.memory_space<vmem_shared>> -> memref<640x16xf32, #tpu.memory_space<vmem_shared>>
      %dma_start3A_150 = arith.constant 0 : i32
      %dma_start3A_151 = tpu.memref_slice %arg9[%mul3A_144, %dma_start3A_150] : memref<10240x16xf32, #tpu.memory_space<vmem_shared>> -> memref<640x16xf32, #tpu.memory_space<vmem_shared>>
      tpu.enqueue_dma source(%dma_start3A_151 : memref<640x16xf32, #tpu.memory_space<vmem_shared>>) target(%arg8 : memref<640x16xf32, #tpu.memory_space<vmem>>) target_semaphore(%run_scoped3A_147 : memref<!tpu.dma_semaphore, #tpu.memory_space<semaphore_mem>>)
      %dma_wait3A = arith.constant 0 : i32
      %dma_wait3A_152 = tpu.memref_slice %arg9[%mul3A_144, %dma_wait3A] : memref<10240x16xf32, #tpu.memory_space<vmem_shared>> -> memref<640x16xf32, #tpu.memory_space<vmem_shared>>
      %dma_wait3A_153 = arith.constant 0 : i32
      %dma_wait3A_154 = tpu.memref_slice %arg9[%mul3A_144, %dma_wait3A_153] : memref<10240x16xf32, #tpu.memory_space<vmem_shared>> -> memref<640x16xf32, #tpu.memory_space<vmem_shared>>
      tpu.wait_dma2 semaphore(%run_scoped3A_147 : memref<!tpu.dma_semaphore, #tpu.memory_space<semaphore_mem>>) src(%dma_wait3A_154 : memref<640x16xf32, #tpu.memory_space<vmem_shared>>) dst(%arg8 : memref<640x16xf32, #tpu.memory_space<vmem>>)
      tpu.yield
    }) : () -> ()
    %mul3A_145 = arith.constant 640 : i32
    %mul3A_146 = arith.muli %arg1, %mul3A_145 : i32
    "tpu.region"() ({
      %run_scoped3A_147 = tpu.sem_alloc : memref<!tpu.dma_semaphore, #tpu.memory_space<semaphore_mem>>
      %dma_start3A_148 = arith.constant 0 : i32
      %dma_start3A_149 = tpu.memref_slice %arg4[%arg0, %mul3A_146, %dma_start3A_148] : memref<2x10240x16xf32, #tpu.memory_space<hbm>> -> memref<1x640x16xf32, #tpu.memory_space<hbm>>
      %dma_start3A_150 = tpu.memref_squeeze %dma_start3A_149 : memref<1x640x16xf32, #tpu.memory_space<hbm>> -> memref<640x16xf32, #tpu.memory_space<hbm>>
      %dma_start3A_151 = arith.constant 0 : i32
      %dma_start3A_152 = tpu.memref_slice %arg4[%arg0, %mul3A_146, %dma_start3A_151] : memref<2x10240x16xf32, #tpu.memory_space<hbm>> -> memref<1x640x16xf32, #tpu.memory_space<hbm>>
      %dma_start3A_153 = tpu.memref_squeeze %dma_start3A_152 : memref<1x640x16xf32, #tpu.memory_space<hbm>> -> memref<640x16xf32, #tpu.memory_space<hbm>>
      tpu.enqueue_dma source(%arg8 : memref<640x16xf32, #tpu.memory_space<vmem>>) target(%dma_start3A_153 : memref<640x16xf32, #tpu.memory_space<hbm>>) target_semaphore(%run_scoped3A_147 : memref<!tpu.dma_semaphore, #tpu.memory_space<semaphore_mem>>)
      %dma_wait3A = arith.constant 0 : i32
      %dma_wait3A_154 = tpu.memref_slice %arg4[%arg0, %mul3A_146, %dma_wait3A] : memref<2x10240x16xf32, #tpu.memory_space<hbm>> -> memref<1x640x16xf32, #tpu.memory_space<hbm>>
      %dma_wait3A_155 = tpu.memref_squeeze %dma_wait3A_154 : memref<1x640x16xf32, #tpu.memory_space<hbm>> -> memref<640x16xf32, #tpu.memory_space<hbm>>
      %dma_wait3A_156 = arith.constant 0 : i32
      %dma_wait3A_157 = tpu.memref_slice %arg4[%arg0, %mul3A_146, %dma_wait3A_156] : memref<2x10240x16xf32, #tpu.memory_space<hbm>> -> memref<1x640x16xf32, #tpu.memory_space<hbm>>
      %dma_wait3A_158 = tpu.memref_squeeze %dma_wait3A_157 : memref<1x640x16xf32, #tpu.memory_space<hbm>> -> memref<640x16xf32, #tpu.memory_space<hbm>>
      tpu.wait_dma2 semaphore(%run_scoped3A_147 : memref<!tpu.dma_semaphore, #tpu.memory_space<semaphore_mem>>) src(%arg8 : memref<640x16xf32, #tpu.memory_space<vmem>>) dst(%dma_wait3A_158 : memref<640x16xf32, #tpu.memory_space<hbm>>)
      tpu.yield
    }) : () -> ()
    return
  }
}

#map = affine_map<(d0, d1) -> (0, 0, 0)>
#map1 = affine_map<(d0, d1) -> (0, 0)>
module attributes {stable_mosaic.version = 14 : i64} {
  func.func @_agg_kernel(%arg0: i32, %arg1: i32, %arg2: memref<2x2500x128xi32, #tpu.memory_space<hbm>>, %arg3: memref<10240x16xf32, #tpu.memory_space<hbm>>, %arg4: memref<2x10240x16xf32, #tpu.memory_space<hbm>>, %arg5: memref<79x128xi32, #tpu.memory_space<vmem>>, %arg6: memref<79x128xi32, #tpu.memory_space<vmem>>, %arg7: memref<8x128x16xf32, #tpu.memory_space<vmem>>, %arg8: memref<640x16xf32, #tpu.memory_space<vmem>>, %arg9: memref<10240x16xf32, #tpu.memory_space<vmem_shared>>, %arg10: memref<!tpu.dma_semaphore, #tpu.memory_space<semaphore_mem>>, %arg11: memref<!tpu.dma_semaphore, #tpu.memory_space<semaphore_mem>>) attributes {dimension_semantics = [#tpu.dimension_semantics<core_parallel>, #tpu.dimension_semantics<subcore_parallel>], iteration_bounds = array<i64: 2, 16>, scalar_prefetch = 0 : i64, scratch_operands = 7 : i64, tpu.core_type = #tpu.core_type<sc_vector_subcore>, window_params = [{transform_indices = #map}, {transform_indices = #map1}, {transform_indices = #map}]} {
    %mul3A = arith.constant 16 : i32
    %mul3A_0 = arith.muli %arg0, %mul3A : i32
    %add3A = arith.addi %mul3A_0, %arg1 : i32
    %lt3A = arith.constant 4 : i32
    %lt3A_1 = arith.cmpi slt, %add3A, %lt3A : i32
    %jit3A = arith.constant 79 : i32
    %jit3A_2 = arith.constant 78 : i32
    %select_n3A = arith.select %lt3A_1, %jit3A, %jit3A_2 : i32
    %mul3A_3 = arith.constant 78 : i32
    %mul3A_4 = arith.muli %mul3A_3, %add3A : i32
    %min3A = arith.constant 4 : i32
    %min3A_5 = arith.minsi %add3A, %min3A : i32
    %add3A_6 = arith.addi %mul3A_4, %min3A_5 : i32
    %lt3A_7 = arith.constant 4 : i32
    %lt3A_8 = arith.cmpi slt, %add3A, %lt3A_7 : i32
    %jit3A_9 = arith.constant 0 : i32
    %jit3A_10 = arith.constant 1 : i32
    %select_n3A_11 = arith.select %lt3A_8, %jit3A_9, %jit3A_10 : i32
    %sub3A = arith.subi %add3A_6, %select_n3A_11 : i32
    %run_scoped3A = arith.constant 0 : i32
    "tpu.region"() ({
      %run_scoped3A_147 = tpu.sem_alloc : memref<!tpu.dma_semaphore, #tpu.memory_space<semaphore_mem>>
      %dma_start3A_148 = arith.constant 0 : i32
      %dma_start3A_149 = tpu.memref_slice %arg2[%run_scoped3A, %sub3A, %dma_start3A_148] : memref<2x2500x128xi32, #tpu.memory_space<hbm>> -> memref<1x79x128xi32, #tpu.memory_space<hbm>>
      %dma_start3A_150 = tpu.memref_squeeze %dma_start3A_149 : memref<1x79x128xi32, #tpu.memory_space<hbm>> -> memref<79x128xi32, #tpu.memory_space<hbm>>
      %dma_start3A_151 = arith.constant 0 : i32
      %dma_start3A_152 = tpu.memref_slice %arg2[%run_scoped3A, %sub3A, %dma_start3A_151] : memref<2x2500x128xi32, #tpu.memory_space<hbm>> -> memref<1x79x128xi32, #tpu.memory_space<hbm>>
      %dma_start3A_153 = tpu.memref_squeeze %dma_start3A_152 : memref<1x79x128xi32, #tpu.memory_space<hbm>> -> memref<79x128xi32, #tpu.memory_space<hbm>>
      tpu.enqueue_dma source(%dma_start3A_153 : memref<79x128xi32, #tpu.memory_space<hbm>>) target(%arg5 : memref<79x128xi32, #tpu.memory_space<vmem>>) target_semaphore(%run_scoped3A_147 : memref<!tpu.dma_semaphore, #tpu.memory_space<semaphore_mem>>)
      %dma_wait3A = arith.constant 0 : i32
      %dma_wait3A_154 = tpu.memref_slice %arg2[%run_scoped3A, %sub3A, %dma_wait3A] : memref<2x2500x128xi32, #tpu.memory_space<hbm>> -> memref<1x79x128xi32, #tpu.memory_space<hbm>>
      %dma_wait3A_155 = tpu.memref_squeeze %dma_wait3A_154 : memref<1x79x128xi32, #tpu.memory_space<hbm>> -> memref<79x128xi32, #tpu.memory_space<hbm>>
      %dma_wait3A_156 = arith.constant 0 : i32
      %dma_wait3A_157 = tpu.memref_slice %arg2[%run_scoped3A, %sub3A, %dma_wait3A_156] : memref<2x2500x128xi32, #tpu.memory_space<hbm>> -> memref<1x79x128xi32, #tpu.memory_space<hbm>>
      %dma_wait3A_158 = tpu.memref_squeeze %dma_wait3A_157 : memref<1x79x128xi32, #tpu.memory_space<hbm>> -> memref<79x128xi32, #tpu.memory_space<hbm>>
      tpu.wait_dma2 semaphore(%run_scoped3A_147 : memref<!tpu.dma_semaphore, #tpu.memory_space<semaphore_mem>>) src(%dma_wait3A_158 : memref<79x128xi32, #tpu.memory_space<hbm>>) dst(%arg5 : memref<79x128xi32, #tpu.memory_space<vmem>>)
      tpu.yield
    }) : () -> ()
    %run_scoped3A_12 = arith.constant 1 : i32
    "tpu.region"() ({
      %run_scoped3A_147 = tpu.sem_alloc : memref<!tpu.dma_semaphore, #tpu.memory_space<semaphore_mem>>
      %dma_start3A_148 = arith.constant 0 : i32
      %dma_start3A_149 = tpu.memref_slice %arg2[%run_scoped3A_12, %sub3A, %dma_start3A_148] : memref<2x2500x128xi32, #tpu.memory_space<hbm>> -> memref<1x79x128xi32, #tpu.memory_space<hbm>>
      %dma_start3A_150 = tpu.memref_squeeze %dma_start3A_149 : memref<1x79x128xi32, #tpu.memory_space<hbm>> -> memref<79x128xi32, #tpu.memory_space<hbm>>
      %dma_start3A_151 = arith.constant 0 : i32
      %dma_start3A_152 = tpu.memref_slice %arg2[%run_scoped3A_12, %sub3A, %dma_start3A_151] : memref<2x2500x128xi32, #tpu.memory_space<hbm>> -> memref<1x79x128xi32, #tpu.memory_space<hbm>>
      %dma_start3A_153 = tpu.memref_squeeze %dma_start3A_152 : memref<1x79x128xi32, #tpu.memory_space<hbm>> -> memref<79x128xi32, #tpu.memory_space<hbm>>
      tpu.enqueue_dma source(%dma_start3A_153 : memref<79x128xi32, #tpu.memory_space<hbm>>) target(%arg6 : memref<79x128xi32, #tpu.memory_space<vmem>>) target_semaphore(%run_scoped3A_147 : memref<!tpu.dma_semaphore, #tpu.memory_space<semaphore_mem>>)
      %dma_wait3A = arith.constant 0 : i32
      %dma_wait3A_154 = tpu.memref_slice %arg2[%run_scoped3A_12, %sub3A, %dma_wait3A] : memref<2x2500x128xi32, #tpu.memory_space<hbm>> -> memref<1x79x128xi32, #tpu.memory_space<hbm>>
      %dma_wait3A_155 = tpu.memref_squeeze %dma_wait3A_154 : memref<1x79x128xi32, #tpu.memory_space<hbm>> -> memref<79x128xi32, #tpu.memory_space<hbm>>
      %dma_wait3A_156 = arith.constant 0 : i32
      %dma_wait3A_157 = tpu.memref_slice %arg2[%run_scoped3A_12, %sub3A, %dma_wait3A_156] : memref<2x2500x128xi32, #tpu.memory_space<hbm>> -> memref<1x79x128xi32, #tpu.memory_space<hbm>>
      %dma_wait3A_158 = tpu.memref_squeeze %dma_wait3A_157 : memref<1x79x128xi32, #tpu.memory_space<hbm>> -> memref<79x128xi32, #tpu.memory_space<hbm>>
      tpu.wait_dma2 semaphore(%run_scoped3A_147 : memref<!tpu.dma_semaphore, #tpu.memory_space<semaphore_mem>>) src(%dma_wait3A_158 : memref<79x128xi32, #tpu.memory_space<hbm>>) dst(%arg6 : memref<79x128xi32, #tpu.memory_space<vmem>>)
      tpu.yield
    }) : () -> ()
    %scan3A = arith.constant 0 : i32
    %scan3A_13 = arith.constant 0 : i32
    %scan3A_14 = arith.constant 640 : i32
    %scan3A_15 = arith.addi %scan3A_13, %scan3A_14 : i32
    %scan3A_16 = arith.constant 1 : i32
    scf.for %scan3A_147 = %scan3A_13 to %scan3A_15 step %scan3A_16  : i32 {
      %broadcast_in_dim3A = arith.constant 0.000000e+00 : f32
      %broadcast_in_dim3A_148 = vector.broadcast %broadcast_in_dim3A : f32 to vector<16xf32>
      %swap3A = arith.index_cast %scan3A_147 : i32 to index
      %swap3A_149 = arith.constant 0 : index
      %swap3A_150 = tpu.vector_load %arg8[%swap3A, %swap3A_149] {strides = array<i32>} : memref<640x16xf32, #tpu.memory_space<vmem>>, vector<16xf32>,
      tpu.vector_store %arg8[%swap3A, %swap3A_149], %broadcast_in_dim3A_148 {strides = array<i32>} : memref<640x16xf32, #tpu.memory_space<vmem>>, vector<16xf32>,
    }
    %scan3A_17 = arith.constant 640 : i32
    %mul3A_18 = arith.constant 640 : i32
    %mul3A_19 = arith.muli %arg1, %mul3A_18 : i32
    "tpu.region"() ({
      %run_scoped3A_147 = tpu.sem_alloc : memref<!tpu.dma_semaphore, #tpu.memory_space<semaphore_mem>>
      %dma_start3A_148 = arith.constant 0 : i32
      %dma_start3A_149 = tpu.memref_slice %arg9[%mul3A_19, %dma_start3A_148] : memref<10240x16xf32, #tpu.memory_space<vmem_shared>> -> memref<640x16xf32, #tpu.memory_space<vmem_shared>>
      %dma_start3A_150 = arith.constant 0 : i32
      %dma_start3A_151 = tpu.memref_slice %arg9[%mul3A_19, %dma_start3A_150] : memref<10240x16xf32, #tpu.memory_space<vmem_shared>> -> memref<640x16xf32, #tpu.memory_space<vmem_shared>>
      tpu.enqueue_dma source(%arg8 : memref<640x16xf32, #tpu.memory_space<vmem>>) target(%dma_start3A_151 : memref<640x16xf32, #tpu.memory_space<vmem_shared>>) target_semaphore(%run_scoped3A_147 : memref<!tpu.dma_semaphore, #tpu.memory_space<semaphore_mem>>)
      %dma_wait3A = arith.constant 0 : i32
      %dma_wait3A_152 = tpu.memref_slice %arg9[%mul3A_19, %dma_wait3A] : memref<10240x16xf32, #tpu.memory_space<vmem_shared>> -> memref<640x16xf32, #tpu.memory_space<vmem_shared>>
      %dma_wait3A_153 = arith.constant 0 : i32
      %dma_wait3A_154 = tpu.memref_slice %arg9[%mul3A_19, %dma_wait3A_153] : memref<10240x16xf32, #tpu.memory_space<vmem_shared>> -> memref<640x16xf32, #tpu.memory_space<vmem_shared>>
      tpu.wait_dma2 semaphore(%run_scoped3A_147 : memref<!tpu.dma_semaphore, #tpu.memory_space<semaphore_mem>>) src(%arg8 : memref<640x16xf32, #tpu.memory_space<vmem>>) dst(%dma_wait3A_154 : memref<640x16xf32, #tpu.memory_space<vmem_shared>>)
      tpu.yield
    }) : () -> ()
    %barrier3A = arith.constant 0 : index
    tpu.barrier barrier_id(%barrier3A)
    %add3A_20 = arith.constant 0 : i32
    %add3A_21 = arith.addi %select_n3A_11, %add3A_20 : i32
    %jit3A_22 = arith.constant 8 : i32
    %eq3A = arith.constant 0 : i32
    %eq3A_23 = arith.cmpi eq, %jit3A_22, %eq3A : i32
    %jit3A_24 = arith.constant 1 : i32
    %select_n3A_25 = arith.select %eq3A_23, %jit3A_24, %jit3A_22 : i32
    %rem3A = arith.remsi %add3A_21, %select_n3A_25 : i32
    %ne3A = arith.constant 0 : i32
    %ne3A_26 = arith.cmpi ne, %rem3A, %ne3A : i32
    %lt3A_27 = arith.constant 0 : i32
    %lt3A_28 = arith.cmpi slt, %rem3A, %lt3A_27 : i32
    %lt3A_29 = arith.constant 0 : i32
    %lt3A_30 = arith.cmpi slt, %select_n3A_25, %lt3A_29 : i32
    %ne3A_31 = arith.xori %lt3A_28, %lt3A_30 : i1
    %and3A = arith.andi %ne3A_31, %ne3A_26 : i1
    %add3A_32 = arith.addi %rem3A, %select_n3A_25 : i32
    %select_n3A_33 = arith.select %and3A, %add3A_32, %rem3A : i32
    %dma_start3A = arith.constant 0 : i32
    %dma_start3A_34 = arith.constant 0 : i32
    %dma_start3A_35 = tpu.memref_slice %arg7[%select_n3A_33, %dma_start3A, %dma_start3A_34] : memref<8x128x16xf32, #tpu.memory_space<vmem>> -> memref<1x128x16xf32, #tpu.memory_space<vmem>>
    %dma_start3A_36 = tpu.memref_squeeze %dma_start3A_35 : memref<1x128x16xf32, #tpu.memory_space<vmem>> -> memref<128x16xf32, #tpu.memory_space<vmem>>
    %dma_start3A_37 = arith.constant 0 : i32
    %dma_start3A_38 = tpu.memref_slice %arg5[%add3A_21, %dma_start3A_37] : memref<79x128xi32, #tpu.memory_space<vmem>> -> memref<1x128xi32, #tpu.memory_space<vmem>>
    %dma_start3A_39 = tpu.memref_squeeze %dma_start3A_38 : memref<1x128xi32, #tpu.memory_space<vmem>> -> memref<128xi32, #tpu.memory_space<vmem>>
    %dma_start3A_40 = arith.constant 0 : i32
    %dma_start3A_41 = arith.constant 0 : i32
    %dma_start3A_42 = tpu.memref_slice %arg3[%dma_start3A_40, %dma_start3A_41] : memref<10240x16xf32, #tpu.memory_space<hbm>> -> memref<10240x16xf32, #tpu.memory_space<hbm>>
    tpu.enqueue_indirect_dma source(%dma_start3A_42 : memref<10240x16xf32, #tpu.memory_space<hbm>>) target(%dma_start3A_36 : memref<128x16xf32, #tpu.memory_space<vmem>>) offsets(%dma_start3A_39 : memref<128xi32, #tpu.memory_space<vmem>>) semaphore(%arg10 : memref<!tpu.dma_semaphore, #tpu.memory_space<semaphore_mem>>)
    %add3A_43 = arith.constant 1 : i32
    %add3A_44 = arith.addi %select_n3A_11, %add3A_43 : i32
    %jit3A_45 = arith.constant 8 : i32
    %eq3A_46 = arith.constant 0 : i32
    %eq3A_47 = arith.cmpi eq, %jit3A_45, %eq3A_46 : i32
    %jit3A_48 = arith.constant 1 : i32
    %select_n3A_49 = arith.select %eq3A_47, %jit3A_48, %jit3A_45 : i32
    %rem3A_50 = arith.remsi %add3A_44, %select_n3A_49 : i32
    %ne3A_51 = arith.constant 0 : i32
    %ne3A_52 = arith.cmpi ne, %rem3A_50, %ne3A_51 : i32
    %lt3A_53 = arith.constant 0 : i32
    %lt3A_54 = arith.cmpi slt, %rem3A_50, %lt3A_53 : i32
    %lt3A_55 = arith.constant 0 : i32
    %lt3A_56 = arith.cmpi slt, %select_n3A_49, %lt3A_55 : i32
    %ne3A_57 = arith.xori %lt3A_54, %lt3A_56 : i1
    %and3A_58 = arith.andi %ne3A_57, %ne3A_52 : i1
    %add3A_59 = arith.addi %rem3A_50, %select_n3A_49 : i32
    %select_n3A_60 = arith.select %and3A_58, %add3A_59, %rem3A_50 : i32
    %dma_start3A_61 = arith.constant 0 : i32
    %dma_start3A_62 = arith.constant 0 : i32
    %dma_start3A_63 = tpu.memref_slice %arg7[%select_n3A_60, %dma_start3A_61, %dma_start3A_62] : memref<8x128x16xf32, #tpu.memory_space<vmem>> -> memref<1x128x16xf32, #tpu.memory_space<vmem>>
    %dma_start3A_64 = tpu.memref_squeeze %dma_start3A_63 : memref<1x128x16xf32, #tpu.memory_space<vmem>> -> memref<128x16xf32, #tpu.memory_space<vmem>>
    %dma_start3A_65 = arith.constant 0 : i32
    %dma_start3A_66 = tpu.memref_slice %arg5[%add3A_44, %dma_start3A_65] : memref<79x128xi32, #tpu.memory_space<vmem>> -> memref<1x128xi32, #tpu.memory_space<vmem>>
    %dma_start3A_67 = tpu.memref_squeeze %dma_start3A_66 : memref<1x128xi32, #tpu.memory_space<vmem>> -> memref<128xi32, #tpu.memory_space<vmem>>
    %dma_start3A_68 = arith.constant 0 : i32
    %dma_start3A_69 = arith.constant 0 : i32
    %dma_start3A_70 = tpu.memref_slice %arg3[%dma_start3A_68, %dma_start3A_69] : memref<10240x16xf32, #tpu.memory_space<hbm>> -> memref<10240x16xf32, #tpu.memory_space<hbm>>
    tpu.enqueue_indirect_dma source(%dma_start3A_70 : memref<10240x16xf32, #tpu.memory_space<hbm>>) target(%dma_start3A_64 : memref<128x16xf32, #tpu.memory_space<vmem>>) offsets(%dma_start3A_67 : memref<128xi32, #tpu.memory_space<vmem>>) semaphore(%arg10 : memref<!tpu.dma_semaphore, #tpu.memory_space<semaphore_mem>>)
    %add3A_71 = arith.constant 2 : i32
    %add3A_72 = arith.addi %select_n3A_11, %add3A_71 : i32
    %jit3A_73 = arith.constant 8 : i32
    %eq3A_74 = arith.constant 0 : i32
    %eq3A_75 = arith.cmpi eq, %jit3A_73, %eq3A_74 : i32
    %jit3A_76 = arith.constant 1 : i32
    %select_n3A_77 = arith.select %eq3A_75, %jit3A_76, %jit3A_73 : i32
    %rem3A_78 = arith.remsi %add3A_72, %select_n3A_77 : i32
    %ne3A_79 = arith.constant 0 : i32
    %ne3A_80 = arith.cmpi ne, %rem3A_78, %ne3A_79 : i32
    %lt3A_81 = arith.constant 0 : i32
    %lt3A_82 = arith.cmpi slt, %rem3A_78, %lt3A_81 : i32
    %lt3A_83 = arith.constant 0 : i32
    %lt3A_84 = arith.cmpi slt, %select_n3A_77, %lt3A_83 : i32
    %ne3A_85 = arith.xori %lt3A_82, %lt3A_84 : i1
    %and3A_86 = arith.andi %ne3A_85, %ne3A_80 : i1
    %add3A_87 = arith.addi %rem3A_78, %select_n3A_77 : i32
    %select_n3A_88 = arith.select %and3A_86, %add3A_87, %rem3A_78 : i32
    %dma_start3A_89 = arith.constant 0 : i32
    %dma_start3A_90 = arith.constant 0 : i32
    %dma_start3A_91 = tpu.memref_slice %arg7[%select_n3A_88, %dma_start3A_89, %dma_start3A_90] : memref<8x128x16xf32, #tpu.memory_space<vmem>> -> memref<1x128x16xf32, #tpu.memory_space<vmem>>
    %dma_start3A_92 = tpu.memref_squeeze %dma_start3A_91 : memref<1x128x16xf32, #tpu.memory_space<vmem>> -> memref<128x16xf32, #tpu.memory_space<vmem>>
    %dma_start3A_93 = arith.constant 0 : i32
    %dma_start3A_94 = tpu.memref_slice %arg5[%add3A_72, %dma_start3A_93] : memref<79x128xi32, #tpu.memory_space<vmem>> -> memref<1x128xi32, #tpu.memory_space<vmem>>
    %dma_start3A_95 = tpu.memref_squeeze %dma_start3A_94 : memref<1x128xi32, #tpu.memory_space<vmem>> -> memref<128xi32, #tpu.memory_space<vmem>>
    %dma_start3A_96 = arith.constant 0 : i32
    %dma_start3A_97 = arith.constant 0 : i32
    %dma_start3A_98 = tpu.memref_slice %arg3[%dma_start3A_96, %dma_start3A_97] : memref<10240x16xf32, #tpu.memory_space<hbm>> -> memref<10240x16xf32, #tpu.memory_space<hbm>>
    tpu.enqueue_indirect_dma source(%dma_start3A_98 : memref<10240x16xf32, #tpu.memory_space<hbm>>) target(%dma_start3A_92 : memref<128x16xf32, #tpu.memory_space<vmem>>) offsets(%dma_start3A_95 : memref<128xi32, #tpu.memory_space<vmem>>) semaphore(%arg10 : memref<!tpu.dma_semaphore, #tpu.memory_space<semaphore_mem>>)
    %add3A_99 = arith.constant 3 : i32
    %add3A_100 = arith.addi %select_n3A_11, %add3A_99 : i32
    %jit3A_101 = arith.constant 8 : i32
    %eq3A_102 = arith.constant 0 : i32
    %eq3A_103 = arith.cmpi eq, %jit3A_101, %eq3A_102 : i32
    %jit3A_104 = arith.constant 1 : i32
    %select_n3A_105 = arith.select %eq3A_103, %jit3A_104, %jit3A_101 : i32
    %rem3A_106 = arith.remsi %add3A_100, %select_n3A_105 : i32
    %ne3A_107 = arith.constant 0 : i32
    %ne3A_108 = arith.cmpi ne, %rem3A_106, %ne3A_107 : i32
    %lt3A_109 = arith.constant 0 : i32
    %lt3A_110 = arith.cmpi slt, %rem3A_106, %lt3A_109 : i32
    %lt3A_111 = arith.constant 0 : i32
    %lt3A_112 = arith.cmpi slt, %select_n3A_105, %lt3A_111 : i32
    %ne3A_113 = arith.xori %lt3A_110, %lt3A_112 : i1
    %and3A_114 = arith.andi %ne3A_113, %ne3A_108 : i1
    %add3A_115 = arith.addi %rem3A_106, %select_n3A_105 : i32
    %select_n3A_116 = arith.select %and3A_114, %add3A_115, %rem3A_106 : i32
    %dma_start3A_117 = arith.constant 0 : i32
    %dma_start3A_118 = arith.constant 0 : i32
    %dma_start3A_119 = tpu.memref_slice %arg7[%select_n3A_116, %dma_start3A_117, %dma_start3A_118] : memref<8x128x16xf32, #tpu.memory_space<vmem>> -> memref<1x128x16xf32, #tpu.memory_space<vmem>>
    %dma_start3A_120 = tpu.memref_squeeze %dma_start3A_119 : memref<1x128x16xf32, #tpu.memory_space<vmem>> -> memref<128x16xf32, #tpu.memory_space<vmem>>
    %dma_start3A_121 = arith.constant 0 : i32
    %dma_start3A_122 = tpu.memref_slice %arg5[%add3A_100, %dma_start3A_121] : memref<79x128xi32, #tpu.memory_space<vmem>> -> memref<1x128xi32, #tpu.memory_space<vmem>>
    %dma_start3A_123 = tpu.memref_squeeze %dma_start3A_122 : memref<1x128xi32, #tpu.memory_space<vmem>> -> memref<128xi32, #tpu.memory_space<vmem>>
    %dma_start3A_124 = arith.constant 0 : i32
    %dma_start3A_125 = arith.constant 0 : i32
    %dma_start3A_126 = tpu.memref_slice %arg3[%dma_start3A_124, %dma_start3A_125] : memref<10240x16xf32, #tpu.memory_space<hbm>> -> memref<10240x16xf32, #tpu.memory_space<hbm>>
    tpu.enqueue_indirect_dma source(%dma_start3A_126 : memref<10240x16xf32, #tpu.memory_space<hbm>>) target(%dma_start3A_120 : memref<128x16xf32, #tpu.memory_space<vmem>>) offsets(%dma_start3A_123 : memref<128xi32, #tpu.memory_space<vmem>>) semaphore(%arg10 : memref<!tpu.dma_semaphore, #tpu.memory_space<semaphore_mem>>)
    %add3A_127 = arith.addi %select_n3A_11, %select_n3A : i32
    %while3A = arith.constant 0 : i32
    %while3A_128 = arith.subi %add3A_127, %select_n3A_11 : i32
    %while3A_129 = arith.addi %select_n3A_11, %while3A_128 : i32
    %while3A_130 = arith.constant 1 : i32
    %while3A_131 = arith.divsi %while3A_128, %while3A_130 : i32
    %while3A_132 = arith.muli %while3A_131, %while3A_130 : i32
    %while3A_133 = arith.addi %select_n3A_11, %while3A_132 : i32
    %while3A_134 = arith.constant 1 : i32
    scf.for %while3A_147 = %select_n3A_11 to %while3A_133 step %while3A_134  : i32 {
      %jit3A_148 = arith.constant 8 : i32
      %eq3A_149 = arith.constant 0 : i32
      %eq3A_150 = arith.cmpi eq, %jit3A_148, %eq3A_149 : i32
      %jit3A_151 = arith.constant 1 : i32
      %select_n3A_152 = arith.select %eq3A_150, %jit3A_151, %jit3A_148 : i32
      %rem3A_153 = arith.remsi %while3A_147, %select_n3A_152 : i32
      %ne3A_154 = arith.constant 0 : i32
      %ne3A_155 = arith.cmpi ne, %rem3A_153, %ne3A_154 : i32
      %lt3A_156 = arith.constant 0 : i32
      %lt3A_157 = arith.cmpi slt, %rem3A_153, %lt3A_156 : i32
      %lt3A_158 = arith.constant 0 : i32
      %lt3A_159 = arith.cmpi slt, %select_n3A_152, %lt3A_158 : i32
      %ne3A_160 = arith.xori %lt3A_157, %lt3A_159 : i1
      %and3A_161 = arith.andi %ne3A_160, %ne3A_155 : i1
      %add3A_162 = arith.addi %rem3A_153, %select_n3A_152 : i32
      %select_n3A_163 = arith.select %and3A_161, %add3A_162, %rem3A_153 : i32
      %dma_wait3A = arith.constant 0 : i32
      %dma_wait3A_164 = arith.constant 0 : i32
      %dma_wait3A_165 = tpu.memref_slice %arg7[%select_n3A_163, %dma_wait3A, %dma_wait3A_164] : memref<8x128x16xf32, #tpu.memory_space<vmem>> -> memref<1x128x16xf32, #tpu.memory_space<vmem>>
      %dma_wait3A_166 = tpu.memref_squeeze %dma_wait3A_165 : memref<1x128x16xf32, #tpu.memory_space<vmem>> -> memref<128x16xf32, #tpu.memory_space<vmem>>
      %dma_wait3A_167 = arith.constant 0 : i32
      %dma_wait3A_168 = tpu.memref_slice %arg5[%while3A_147, %dma_wait3A_167] : memref<79x128xi32, #tpu.memory_space<vmem>> -> memref<1x128xi32, #tpu.memory_space<vmem>>
      %dma_wait3A_169 = tpu.memref_squeeze %dma_wait3A_168 : memref<1x128xi32, #tpu.memory_space<vmem>> -> memref<128xi32, #tpu.memory_space<vmem>>
      %dma_wait3A_170 = arith.constant 0 : i32
      %dma_wait3A_171 = arith.constant 0 : i32
      %dma_wait3A_172 = tpu.memref_slice %arg3[%dma_wait3A_170, %dma_wait3A_171] : memref<10240x16xf32, #tpu.memory_space<hbm>> -> memref<10240x16xf32, #tpu.memory_space<hbm>>
      tpu.wait_indirect_dma semaphore(%arg10 : memref<!tpu.dma_semaphore, #tpu.memory_space<semaphore_mem>>) src(%dma_wait3A_172 : memref<10240x16xf32, #tpu.memory_space<hbm>>) dst(%dma_wait3A_166 : memref<128x16xf32, #tpu.memory_space<vmem>>)
      %dma_start3A_173 = arith.constant 0 : i32
      %dma_start3A_174 = arith.constant 0 : i32
      %dma_start3A_175 = tpu.memref_slice %arg7[%select_n3A_163, %dma_start3A_173, %dma_start3A_174] : memref<8x128x16xf32, #tpu.memory_space<vmem>> -> memref<1x128x16xf32, #tpu.memory_space<vmem>>
      %dma_start3A_176 = tpu.memref_squeeze %dma_start3A_175 : memref<1x128x16xf32, #tpu.memory_space<vmem>> -> memref<128x16xf32, #tpu.memory_space<vmem>>
      %dma_start3A_177 = arith.constant 0 : i32
      %dma_start3A_178 = tpu.memref_slice %arg6[%while3A_147, %dma_start3A_177] : memref<79x128xi32, #tpu.memory_space<vmem>> -> memref<1x128xi32, #tpu.memory_space<vmem>>
      %dma_start3A_179 = tpu.memref_squeeze %dma_start3A_178 : memref<1x128xi32, #tpu.memory_space<vmem>> -> memref<128xi32, #tpu.memory_space<vmem>>
      %dma_start3A_180 = arith.constant 0 : i32
      %dma_start3A_181 = arith.constant 0 : i32
      %dma_start3A_182 = tpu.memref_slice %arg9[%dma_start3A_180, %dma_start3A_181] : memref<10240x16xf32, #tpu.memory_space<vmem_shared>> -> memref<10240x16xf32, #tpu.memory_space<vmem_shared>>
      tpu.enqueue_indirect_dma source(%dma_start3A_176 : memref<128x16xf32, #tpu.memory_space<vmem>>) target(%dma_start3A_182 : memref<10240x16xf32, #tpu.memory_space<vmem_shared>>) offsets(%dma_start3A_179 : memref<128xi32, #tpu.memory_space<vmem>>) semaphore(%arg11 : memref<!tpu.dma_semaphore, #tpu.memory_space<semaphore_mem>>) {add = true}
      %add3A_183 = arith.constant 4 : i32
      %add3A_184 = arith.addi %while3A_147, %add3A_183 : i32
      %add3A_185 = arith.addi %select_n3A_11, %select_n3A : i32
      %lt3A_186 = arith.cmpi slt, %add3A_184, %add3A_185 : i32
      %convert_element_type3A = arith.extui %lt3A_186 : i1 to i32
      %cond3A = arith.constant 0 : i32
      %cond3A_187 = arith.cmpi ne, %convert_element_type3A, %cond3A : i32
      scf.if %cond3A_187 {
        %add3A_188 = arith.constant 4 : i32
        %add3A_189 = arith.addi %while3A_147, %add3A_188 : i32
        %jit3A_190 = arith.constant 8 : i32
        %eq3A_191 = arith.constant 0 : i32
        %eq3A_192 = arith.cmpi eq, %jit3A_190, %eq3A_191 : i32
        %jit3A_193 = arith.constant 1 : i32
        %select_n3A_194 = arith.select %eq3A_192, %jit3A_193, %jit3A_190 : i32
        %rem3A_195 = arith.remsi %add3A_189, %select_n3A_194 : i32
        %ne3A_196 = arith.constant 0 : i32
        %ne3A_197 = arith.cmpi ne, %rem3A_195, %ne3A_196 : i32
        %lt3A_198 = arith.constant 0 : i32
        %lt3A_199 = arith.cmpi slt, %rem3A_195, %lt3A_198 : i32
        %lt3A_200 = arith.constant 0 : i32
        %lt3A_201 = arith.cmpi slt, %select_n3A_194, %lt3A_200 : i32
        %ne3A_202 = arith.xori %lt3A_199, %lt3A_201 : i1
        %and3A_203 = arith.andi %ne3A_202, %ne3A_197 : i1
        %add3A_204 = arith.addi %rem3A_195, %select_n3A_194 : i32
        %select_n3A_205 = arith.select %and3A_203, %add3A_204, %rem3A_195 : i32
        %add3A_206 = arith.constant 4 : i32
        %add3A_207 = arith.addi %select_n3A_11, %add3A_206 : i32
        %ge3A = arith.cmpi sge, %while3A_147, %add3A_207 : i32
        %convert_element_type3A_208 = arith.extui %ge3A : i1 to i32
        %cond3A_209 = arith.constant 0 : i32
        %cond3A_210 = arith.cmpi ne, %convert_element_type3A_208, %cond3A_209 : i32
        scf.if %cond3A_210 {
          %sub3A_223 = arith.constant 4 : i32
          %sub3A_224 = arith.subi %while3A_147, %sub3A_223 : i32
          %dma_wait3A_225 = arith.constant 0 : i32
          %dma_wait3A_226 = arith.constant 0 : i32
          %dma_wait3A_227 = tpu.memref_slice %arg7[%select_n3A_205, %dma_wait3A_225, %dma_wait3A_226] : memref<8x128x16xf32, #tpu.memory_space<vmem>> -> memref<1x128x16xf32, #tpu.memory_space<vmem>>
          %dma_wait3A_228 = tpu.memref_squeeze %dma_wait3A_227 : memref<1x128x16xf32, #tpu.memory_space<vmem>> -> memref<128x16xf32, #tpu.memory_space<vmem>>
          %dma_wait3A_229 = arith.constant 0 : i32
          %dma_wait3A_230 = tpu.memref_slice %arg6[%sub3A_224, %dma_wait3A_229] : memref<79x128xi32, #tpu.memory_space<vmem>> -> memref<1x128xi32, #tpu.memory_space<vmem>>
          %dma_wait3A_231 = tpu.memref_squeeze %dma_wait3A_230 : memref<1x128xi32, #tpu.memory_space<vmem>> -> memref<128xi32, #tpu.memory_space<vmem>>
          %dma_wait3A_232 = arith.constant 0 : i32
          %dma_wait3A_233 = arith.constant 0 : i32
          %dma_wait3A_234 = tpu.memref_slice %arg9[%dma_wait3A_232, %dma_wait3A_233] : memref<10240x16xf32, #tpu.memory_space<vmem_shared>> -> memref<10240x16xf32, #tpu.memory_space<vmem_shared>>
          tpu.wait_indirect_dma semaphore(%arg11 : memref<!tpu.dma_semaphore, #tpu.memory_space<semaphore_mem>>) src(%dma_wait3A_228 : memref<128x16xf32, #tpu.memory_space<vmem>>) dst(%dma_wait3A_234 : memref<10240x16xf32, #tpu.memory_space<vmem_shared>>)
        } else {
        }
        %add3A_211 = arith.constant 4 : i32
        %add3A_212 = arith.addi %while3A_147, %add3A_211 : i32
        %dma_start3A_213 = arith.constant 0 : i32
        %dma_start3A_214 = arith.constant 0 : i32
        %dma_start3A_215 = tpu.memref_slice %arg7[%select_n3A_205, %dma_start3A_213, %dma_start3A_214] : memref<8x128x16xf32, #tpu.memory_space<vmem>> -> memref<1x128x16xf32, #tpu.memory_space<vmem>>
        %dma_start3A_216 = tpu.memref_squeeze %dma_start3A_215 : memref<1x128x16xf32, #tpu.memory_space<vmem>> -> memref<128x16xf32, #tpu.memory_space<vmem>>
        %dma_start3A_217 = arith.constant 0 : i32
        %dma_start3A_218 = tpu.memref_slice %arg5[%add3A_212, %dma_start3A_217] : memref<79x128xi32, #tpu.memory_space<vmem>> -> memref<1x128xi32, #tpu.memory_space<vmem>>
        %dma_start3A_219 = tpu.memref_squeeze %dma_start3A_218 : memref<1x128xi32, #tpu.memory_space<vmem>> -> memref<128xi32, #tpu.memory_space<vmem>>
        %dma_start3A_220 = arith.constant 0 : i32
        %dma_start3A_221 = arith.constant 0 : i32
        %dma_start3A_222 = tpu.memref_slice %arg3[%dma_start3A_220, %dma_start3A_221] : memref<10240x16xf32, #tpu.memory_space<hbm>> -> memref<10240x16xf32, #tpu.memory_space<hbm>>
        tpu.enqueue_indirect_dma source(%dma_start3A_222 : memref<10240x16xf32, #tpu.memory_space<hbm>>) target(%dma_start3A_216 : memref<128x16xf32, #tpu.memory_space<vmem>>) offsets(%dma_start3A_219 : memref<128xi32, #tpu.memory_space<vmem>>) semaphore(%arg10 : memref<!tpu.dma_semaphore, #tpu.memory_space<semaphore_mem>>)
      } else {
      }
    }
    %while3A_135 = arith.constant 1 : i32
    scf.for %while3A_147 = %while3A_133 to %while3A_129 step %while3A_135  : i32 {
      %jit3A_148 = arith.constant 8 : i32
      %eq3A_149 = arith.constant 0 : i32
      %eq3A_150 = arith.cmpi eq, %jit3A_148, %eq3A_149 : i32
      %jit3A_151 = arith.constant 1 : i32
      %select_n3A_152 = arith.select %eq3A_150, %jit3A_151, %jit3A_148 : i32
      %rem3A_153 = arith.remsi %while3A_147, %select_n3A_152 : i32
      %ne3A_154 = arith.constant 0 : i32
      %ne3A_155 = arith.cmpi ne, %rem3A_153, %ne3A_154 : i32
      %lt3A_156 = arith.constant 0 : i32
      %lt3A_157 = arith.cmpi slt, %rem3A_153, %lt3A_156 : i32
      %lt3A_158 = arith.constant 0 : i32
      %lt3A_159 = arith.cmpi slt, %select_n3A_152, %lt3A_158 : i32
      %ne3A_160 = arith.xori %lt3A_157, %lt3A_159 : i1
      %and3A_161 = arith.andi %ne3A_160, %ne3A_155 : i1
      %add3A_162 = arith.addi %rem3A_153, %select_n3A_152 : i32
      %select_n3A_163 = arith.select %and3A_161, %add3A_162, %rem3A_153 : i32
      %dma_wait3A = arith.constant 0 : i32
      %dma_wait3A_164 = arith.constant 0 : i32
      %dma_wait3A_165 = tpu.memref_slice %arg7[%select_n3A_163, %dma_wait3A, %dma_wait3A_164] : memref<8x128x16xf32, #tpu.memory_space<vmem>> -> memref<1x128x16xf32, #tpu.memory_space<vmem>>
      %dma_wait3A_166 = tpu.memref_squeeze %dma_wait3A_165 : memref<1x128x16xf32, #tpu.memory_space<vmem>> -> memref<128x16xf32, #tpu.memory_space<vmem>>
      %dma_wait3A_167 = arith.constant 0 : i32
      %dma_wait3A_168 = tpu.memref_slice %arg5[%while3A_147, %dma_wait3A_167] : memref<79x128xi32, #tpu.memory_space<vmem>> -> memref<1x128xi32, #tpu.memory_space<vmem>>
      %dma_wait3A_169 = tpu.memref_squeeze %dma_wait3A_168 : memref<1x128xi32, #tpu.memory_space<vmem>> -> memref<128xi32, #tpu.memory_space<vmem>>
      %dma_wait3A_170 = arith.constant 0 : i32
      %dma_wait3A_171 = arith.constant 0 : i32
      %dma_wait3A_172 = tpu.memref_slice %arg3[%dma_wait3A_170, %dma_wait3A_171] : memref<10240x16xf32, #tpu.memory_space<hbm>> -> memref<10240x16xf32, #tpu.memory_space<hbm>>
      tpu.wait_indirect_dma semaphore(%arg10 : memref<!tpu.dma_semaphore, #tpu.memory_space<semaphore_mem>>) src(%dma_wait3A_172 : memref<10240x16xf32, #tpu.memory_space<hbm>>) dst(%dma_wait3A_166 : memref<128x16xf32, #tpu.memory_space<vmem>>)
      %dma_start3A_173 = arith.constant 0 : i32
      %dma_start3A_174 = arith.constant 0 : i32
      %dma_start3A_175 = tpu.memref_slice %arg7[%select_n3A_163, %dma_start3A_173, %dma_start3A_174] : memref<8x128x16xf32, #tpu.memory_space<vmem>> -> memref<1x128x16xf32, #tpu.memory_space<vmem>>
      %dma_start3A_176 = tpu.memref_squeeze %dma_start3A_175 : memref<1x128x16xf32, #tpu.memory_space<vmem>> -> memref<128x16xf32, #tpu.memory_space<vmem>>
      %dma_start3A_177 = arith.constant 0 : i32
      %dma_start3A_178 = tpu.memref_slice %arg6[%while3A_147, %dma_start3A_177] : memref<79x128xi32, #tpu.memory_space<vmem>> -> memref<1x128xi32, #tpu.memory_space<vmem>>
      %dma_start3A_179 = tpu.memref_squeeze %dma_start3A_178 : memref<1x128xi32, #tpu.memory_space<vmem>> -> memref<128xi32, #tpu.memory_space<vmem>>
      %dma_start3A_180 = arith.constant 0 : i32
      %dma_start3A_181 = arith.constant 0 : i32
      %dma_start3A_182 = tpu.memref_slice %arg9[%dma_start3A_180, %dma_start3A_181] : memref<10240x16xf32, #tpu.memory_space<vmem_shared>> -> memref<10240x16xf32, #tpu.memory_space<vmem_shared>>
      tpu.enqueue_indirect_dma source(%dma_start3A_176 : memref<128x16xf32, #tpu.memory_space<vmem>>) target(%dma_start3A_182 : memref<10240x16xf32, #tpu.memory_space<vmem_shared>>) offsets(%dma_start3A_179 : memref<128xi32, #tpu.memory_space<vmem>>) semaphore(%arg11 : memref<!tpu.dma_semaphore, #tpu.memory_space<semaphore_mem>>) {add = true}
      %add3A_183 = arith.constant 4 : i32
      %add3A_184 = arith.addi %while3A_147, %add3A_183 : i32
      %add3A_185 = arith.addi %select_n3A_11, %select_n3A : i32
      %lt3A_186 = arith.cmpi slt, %add3A_184, %add3A_185 : i32
      %convert_element_type3A = arith.extui %lt3A_186 : i1 to i32
      %cond3A = arith.constant 0 : i32
      %cond3A_187 = arith.cmpi ne, %convert_element_type3A, %cond3A : i32
      scf.if %cond3A_187 {
        %add3A_188 = arith.constant 4 : i32
        %add3A_189 = arith.addi %while3A_147, %add3A_188 : i32
        %jit3A_190 = arith.constant 8 : i32
        %eq3A_191 = arith.constant 0 : i32
        %eq3A_192 = arith.cmpi eq, %jit3A_190, %eq3A_191 : i32
        %jit3A_193 = arith.constant 1 : i32
        %select_n3A_194 = arith.select %eq3A_192, %jit3A_193, %jit3A_190 : i32
        %rem3A_195 = arith.remsi %add3A_189, %select_n3A_194 : i32
        %ne3A_196 = arith.constant 0 : i32
        %ne3A_197 = arith.cmpi ne, %rem3A_195, %ne3A_196 : i32
        %lt3A_198 = arith.constant 0 : i32
        %lt3A_199 = arith.cmpi slt, %rem3A_195, %lt3A_198 : i32
        %lt3A_200 = arith.constant 0 : i32
        %lt3A_201 = arith.cmpi slt, %select_n3A_194, %lt3A_200 : i32
        %ne3A_202 = arith.xori %lt3A_199, %lt3A_201 : i1
        %and3A_203 = arith.andi %ne3A_202, %ne3A_197 : i1
        %add3A_204 = arith.addi %rem3A_195, %select_n3A_194 : i32
        %select_n3A_205 = arith.select %and3A_203, %add3A_204, %rem3A_195 : i32
        %add3A_206 = arith.constant 4 : i32
        %add3A_207 = arith.addi %select_n3A_11, %add3A_206 : i32
        %ge3A = arith.cmpi sge, %while3A_147, %add3A_207 : i32
        %convert_element_type3A_208 = arith.extui %ge3A : i1 to i32
        %cond3A_209 = arith.constant 0 : i32
        %cond3A_210 = arith.cmpi ne, %convert_element_type3A_208, %cond3A_209 : i32
        scf.if %cond3A_210 {
          %sub3A_223 = arith.constant 4 : i32
          %sub3A_224 = arith.subi %while3A_147, %sub3A_223 : i32
          %dma_wait3A_225 = arith.constant 0 : i32
          %dma_wait3A_226 = arith.constant 0 : i32
          %dma_wait3A_227 = tpu.memref_slice %arg7[%select_n3A_205, %dma_wait3A_225, %dma_wait3A_226] : memref<8x128x16xf32, #tpu.memory_space<vmem>> -> memref<1x128x16xf32, #tpu.memory_space<vmem>>
          %dma_wait3A_228 = tpu.memref_squeeze %dma_wait3A_227 : memref<1x128x16xf32, #tpu.memory_space<vmem>> -> memref<128x16xf32, #tpu.memory_space<vmem>>
          %dma_wait3A_229 = arith.constant 0 : i32
          %dma_wait3A_230 = tpu.memref_slice %arg6[%sub3A_224, %dma_wait3A_229] : memref<79x128xi32, #tpu.memory_space<vmem>> -> memref<1x128xi32, #tpu.memory_space<vmem>>
          %dma_wait3A_231 = tpu.memref_squeeze %dma_wait3A_230 : memref<1x128xi32, #tpu.memory_space<vmem>> -> memref<128xi32, #tpu.memory_space<vmem>>
          %dma_wait3A_232 = arith.constant 0 : i32
          %dma_wait3A_233 = arith.constant 0 : i32
          %dma_wait3A_234 = tpu.memref_slice %arg9[%dma_wait3A_232, %dma_wait3A_233] : memref<10240x16xf32, #tpu.memory_space<vmem_shared>> -> memref<10240x16xf32, #tpu.memory_space<vmem_shared>>
          tpu.wait_indirect_dma semaphore(%arg11 : memref<!tpu.dma_semaphore, #tpu.memory_space<semaphore_mem>>) src(%dma_wait3A_228 : memref<128x16xf32, #tpu.memory_space<vmem>>) dst(%dma_wait3A_234 : memref<10240x16xf32, #tpu.memory_space<vmem_shared>>)
        } else {
        }
        %add3A_211 = arith.constant 4 : i32
        %add3A_212 = arith.addi %while3A_147, %add3A_211 : i32
        %dma_start3A_213 = arith.constant 0 : i32
        %dma_start3A_214 = arith.constant 0 : i32
        %dma_start3A_215 = tpu.memref_slice %arg7[%select_n3A_205, %dma_start3A_213, %dma_start3A_214] : memref<8x128x16xf32, #tpu.memory_space<vmem>> -> memref<1x128x16xf32, #tpu.memory_space<vmem>>
        %dma_start3A_216 = tpu.memref_squeeze %dma_start3A_215 : memref<1x128x16xf32, #tpu.memory_space<vmem>> -> memref<128x16xf32, #tpu.memory_space<vmem>>
        %dma_start3A_217 = arith.constant 0 : i32
        %dma_start3A_218 = tpu.memref_slice %arg5[%add3A_212, %dma_start3A_217] : memref<79x128xi32, #tpu.memory_space<vmem>> -> memref<1x128xi32, #tpu.memory_space<vmem>>
        %dma_start3A_219 = tpu.memref_squeeze %dma_start3A_218 : memref<1x128xi32, #tpu.memory_space<vmem>> -> memref<128xi32, #tpu.memory_space<vmem>>
        %dma_start3A_220 = arith.constant 0 : i32
        %dma_start3A_221 = arith.constant 0 : i32
        %dma_start3A_222 = tpu.memref_slice %arg3[%dma_start3A_220, %dma_start3A_221] : memref<10240x16xf32, #tpu.memory_space<hbm>> -> memref<10240x16xf32, #tpu.memory_space<hbm>>
        tpu.enqueue_indirect_dma source(%dma_start3A_222 : memref<10240x16xf32, #tpu.memory_space<hbm>>) target(%dma_start3A_216 : memref<128x16xf32, #tpu.memory_space<vmem>>) offsets(%dma_start3A_219 : memref<128xi32, #tpu.memory_space<vmem>>) semaphore(%arg10 : memref<!tpu.dma_semaphore, #tpu.memory_space<semaphore_mem>>)
      } else {
      }
    }
    %scan3A_136 = arith.constant 0 : i32
    %scan3A_137 = arith.constant 0 : i32
    %scan3A_138 = arith.constant 8 : i32
    %scan3A_139 = arith.addi %scan3A_137, %scan3A_138 : i32
    %scan3A_140 = arith.constant 1 : i32
    scf.for %scan3A_147 = %scan3A_137 to %scan3A_139 step %scan3A_140  : i32 {
      %dma_wait3A = arith.constant 0 : i32
      %dma_wait3A_148 = arith.constant 0 : i32
      %dma_wait3A_149 = tpu.memref_slice %arg7[%scan3A_147, %dma_wait3A, %dma_wait3A_148] : memref<8x128x16xf32, #tpu.memory_space<vmem>> -> memref<1x128x16xf32, #tpu.memory_space<vmem>>
      %dma_wait3A_150 = tpu.memref_squeeze %dma_wait3A_149 : memref<1x128x16xf32, #tpu.memory_space<vmem>> -> memref<128x16xf32, #tpu.memory_space<vmem>>
      %dma_wait3A_151 = arith.constant 0 : i32
      %dma_wait3A_152 = tpu.memref_slice %arg6[%select_n3A_11, %dma_wait3A_151] : memref<79x128xi32, #tpu.memory_space<vmem>> -> memref<1x128xi32, #tpu.memory_space<vmem>>
      %dma_wait3A_153 = tpu.memref_squeeze %dma_wait3A_152 : memref<1x128xi32, #tpu.memory_space<vmem>> -> memref<128xi32, #tpu.memory_space<vmem>>
      %dma_wait3A_154 = arith.constant 0 : i32
      %dma_wait3A_155 = arith.constant 0 : i32
      %dma_wait3A_156 = tpu.memref_slice %arg9[%dma_wait3A_154, %dma_wait3A_155] : memref<10240x16xf32, #tpu.memory_space<vmem_shared>> -> memref<10240x16xf32, #tpu.memory_space<vmem_shared>>
      tpu.wait_indirect_dma semaphore(%arg11 : memref<!tpu.dma_semaphore, #tpu.memory_space<semaphore_mem>>) src(%dma_wait3A_150 : memref<128x16xf32, #tpu.memory_space<vmem>>) dst(%dma_wait3A_156 : memref<10240x16xf32, #tpu.memory_space<vmem_shared>>)
    }
    %scan3A_141 = arith.constant 8 : i32
    %barrier3A_142 = arith.constant 0 : index
    tpu.barrier barrier_id(%barrier3A_142)
    %mul3A_143 = arith.constant 640 : i32
    %mul3A_144 = arith.muli %arg1, %mul3A_143 : i32
    "tpu.region"() ({
      %run_scoped3A_147 = tpu.sem_alloc : memref<!tpu.dma_semaphore, #tpu.memory_space<semaphore_mem>>
      %dma_start3A_148 = arith.constant 0 : i32
      %dma_start3A_149 = tpu.memref_slice %arg9[%mul3A_144, %dma_start3A_148] : memref<10240x16xf32, #tpu.memory_space<vmem_shared>> -> memref<640x16xf32, #tpu.memory_space<vmem_shared>>
      %dma_start3A_150 = arith.constant 0 : i32
      %dma_start3A_151 = tpu.memref_slice %arg9[%mul3A_144, %dma_start3A_150] : memref<10240x16xf32, #tpu.memory_space<vmem_shared>> -> memref<640x16xf32, #tpu.memory_space<vmem_shared>>
      tpu.enqueue_dma source(%dma_start3A_151 : memref<640x16xf32, #tpu.memory_space<vmem_shared>>) target(%arg8 : memref<640x16xf32, #tpu.memory_space<vmem>>) target_semaphore(%run_scoped3A_147 : memref<!tpu.dma_semaphore, #tpu.memory_space<semaphore_mem>>)
      %dma_wait3A = arith.constant 0 : i32
      %dma_wait3A_152 = tpu.memref_slice %arg9[%mul3A_144, %dma_wait3A] : memref<10240x16xf32, #tpu.memory_space<vmem_shared>> -> memref<640x16xf32, #tpu.memory_space<vmem_shared>>
      %dma_wait3A_153 = arith.constant 0 : i32
      %dma_wait3A_154 = tpu.memref_slice %arg9[%mul3A_144, %dma_wait3A_153] : memref<10240x16xf32, #tpu.memory_space<vmem_shared>> -> memref<640x16xf32, #tpu.memory_space<vmem_shared>>
      tpu.wait_dma2 semaphore(%run_scoped3A_147 : memref<!tpu.dma_semaphore, #tpu.memory_space<semaphore_mem>>) src(%dma_wait3A_154 : memref<640x16xf32, #tpu.memory_space<vmem_shared>>) dst(%arg8 : memref<640x16xf32, #tpu.memory_space<vmem>>)
      tpu.yield
    }) : () -> ()
    %mul3A_145 = arith.constant 640 : i32
    %mul3A_146 = arith.muli %arg1, %mul3A_145 : i32
    "tpu.region"() ({
      %run_scoped3A_147 = tpu.sem_alloc : memref<!tpu.dma_semaphore, #tpu.memory_space<semaphore_mem>>
      %dma_start3A_148 = arith.constant 0 : i32
      %dma_start3A_149 = tpu.memref_slice %arg4[%arg0, %mul3A_146, %dma_start3A_148] : memref<2x10240x16xf32, #tpu.memory_space<hbm>> -> memref<1x640x16xf32, #tpu.memory_space<hbm>>
      %dma_start3A_150 = tpu.memref_squeeze %dma_start3A_149 : memref<1x640x16xf32, #tpu.memory_space<hbm>> -> memref<640x16xf32, #tpu.memory_space<hbm>>
      %dma_start3A_151 = arith.constant 0 : i32
      %dma_start3A_152 = tpu.memref_slice %arg4[%arg0, %mul3A_146, %dma_start3A_151] : memref<2x10240x16xf32, #tpu.memory_space<hbm>> -> memref<1x640x16xf32, #tpu.memory_space<hbm>>
      %dma_start3A_153 = tpu.memref_squeeze %dma_start3A_152 : memref<1x640x16xf32, #tpu.memory_space<hbm>> -> memref<640x16xf32, #tpu.memory_space<hbm>>
      tpu.enqueue_dma source(%arg8 : memref<640x16xf32, #tpu.memory_space<vmem>>) target(%dma_start3A_153 : memref<640x16xf32, #tpu.memory_space<hbm>>) target_semaphore(%run_scoped3A_147 : memref<!tpu.dma_semaphore, #tpu.memory_space<semaphore_mem>>)
      %dma_wait3A = arith.constant 0 : i32
      %dma_wait3A_154 = tpu.memref_slice %arg4[%arg0, %mul3A_146, %dma_wait3A] : memref<2x10240x16xf32, #tpu.memory_space<hbm>> -> memref<1x640x16xf32, #tpu.memory_space<hbm>>
      %dma_wait3A_155 = tpu.memref_squeeze %dma_wait3A_154 : memref<1x640x16xf32, #tpu.memory_space<hbm>> -> memref<640x16xf32, #tpu.memory_space<hbm>>
      %dma_wait3A_156 = arith.constant 0 : i32
      %dma_wait3A_157 = tpu.memref_slice %arg4[%arg0, %mul3A_146, %dma_wait3A_156] : memref<2x10240x16xf32, #tpu.memory_space<hbm>> -> memref<1x640x16xf32, #tpu.memory_space<hbm>>
      %dma_wait3A_158 = tpu.memref_squeeze %dma_wait3A_157 : memref<1x640x16xf32, #tpu.memory_space<hbm>> -> memref<640x16xf32, #tpu.memory_space<hbm>>
      tpu.wait_dma2 semaphore(%run_scoped3A_147 : memref<!tpu.dma_semaphore, #tpu.memory_space<semaphore_mem>>) src(%arg8 : memref<640x16xf32, #tpu.memory_space<vmem>>) dst(%dma_wait3A_158 : memref<640x16xf32, #tpu.memory_space<hbm>>)
      tpu.yield
    }) : () -> ()
    return
  }
}

module attributes {stable_mosaic.version = 14 : i64} {
  func.func @_tc1(%arg0: memref<1250x1024xf32, #tpu.memory_space<vmem>>, %arg1: memref<1024x128xf32, #tpu.memory_space<vmem>>, %arg2: memref<2x1280x128xf32, #tpu.memory_space<vmem>>, %arg3: memref<1280x128xf32, #tpu.memory_space<vmem>>, %arg4: memref<1280x128xf32, #tpu.memory_space<vmem>>) attributes {dimension_semantics = [], scalar_prefetch = 0 : i64, scratch_operands = 0 : i64, tpu.core_type = #tpu.core_type<tc>} {
    %get3A = arith.constant 0 : index
    %get3A_0 = arith.constant 0 : index
    %get3A_1 = arith.constant 0 : index
    %get3A_2 = vector.load %arg2[%get3A, %get3A_0, %get3A_1] : memref<2x1280x128xf32, #tpu.memory_space<vmem>>, vector<1x1280x128xf32>
    %get3A_3 = vector.shape_cast %get3A_2 : vector<1x1280x128xf32> to vector<1280x128xf32>
    %get3A_4 = arith.constant 1 : index
    %get3A_5 = arith.constant 0 : index
    %get3A_6 = arith.constant 0 : index
    %get3A_7 = vector.load %arg2[%get3A_4, %get3A_5, %get3A_6] : memref<2x1280x128xf32, #tpu.memory_space<vmem>>, vector<1x1280x128xf32>
    %get3A_8 = vector.shape_cast %get3A_7 : vector<1x1280x128xf32> to vector<1280x128xf32>
    %add3A = arith.addf %get3A_3, %get3A_8 : vector<1280x128xf32>
    %add3A_9 = arith.constant 1.000000e+00 : f32
    %add3A_10 = vector.broadcast %add3A_9 : f32 to vector<1280x128xf32>
    %add3A_11 = arith.addf %add3A, %add3A_10 : vector<1280x128xf32>
    %rsqrt3A = math.rsqrt %add3A_11 : vector<1280x128xf32>
    %get3A_12 = arith.constant 0 : index
    %get3A_13 = arith.constant 0 : index
    %get3A_14 = vector.load %arg0[%get3A_12, %get3A_13] : memref<1250x1024xf32, #tpu.memory_space<vmem>>, vector<1250x1024xf32>
    %get3A_15 = arith.constant 0 : index
    %get3A_16 = arith.constant 0 : index
    %get3A_17 = vector.load %arg1[%get3A_15, %get3A_16] : memref<1024x128xf32, #tpu.memory_space<vmem>>, vector<1024x128xf32>
    %dot_general3A = arith.constant dense<0.000000e+00> : vector<1250x128xf32>
    %dot_general3A_18 = tpu.matmul %get3A_14, %get3A_17, %dot_general3A {dimension_numbers = #tpu.dot_dimension_numbers<[1], [0], [0], [1], [0, 0, 1, 1], [], []>, transpose_lhs_hint = false} : vector<1250x1024xf32>, vector<1024x128xf32>, vector<1250x128xf32> -> vector<1250x128xf32>
    %slice3A = vector.extract_strided_slice %rsqrt3A {offsets = [0, 0], sizes = [1250, 128], strides = [1, 1]} : vector<1280x128xf32> to vector<1250x128xf32>
    %mul3A = arith.mulf %dot_general3A_18, %slice3A : vector<1250x128xf32>
    %swap3A = arith.constant 0 : index
    %swap3A_19 = arith.constant 0 : index
    %swap3A_20 = vector.load %arg3[%swap3A, %swap3A_19] : memref<1280x128xf32, #tpu.memory_space<vmem>>, vector<1250x128xf32>
    tpu.vector_store %arg3[%swap3A, %swap3A_19], %mul3A {strides = array<i32>} : memref<1280x128xf32, #tpu.memory_space<vmem>>, vector<1250x128xf32>,
    %broadcast_in_dim3A = arith.constant 0.000000e+00 : f32
    %broadcast_in_dim3A_21 = vector.broadcast %broadcast_in_dim3A : f32 to vector<30x128xf32>
    %swap3A_22 = arith.constant 1250 : index
    %swap3A_23 = arith.constant 0 : index
    %swap3A_24 = vector.load %arg3[%swap3A_22, %swap3A_23] : memref<1280x128xf32, #tpu.memory_space<vmem>>, vector<30x128xf32>
    tpu.vector_store %arg3[%swap3A_22, %swap3A_23], %broadcast_in_dim3A_21 {strides = array<i32>} : memref<1280x128xf32, #tpu.memory_space<vmem>>, vector<30x128xf32>,
    %swap3A_25 = arith.constant 0 : index
    %swap3A_26 = arith.constant 0 : index
    %swap3A_27 = vector.load %arg4[%swap3A_25, %swap3A_26] : memref<1280x128xf32, #tpu.memory_space<vmem>>, vector<1280x128xf32>
    tpu.vector_store %arg4[%swap3A_25, %swap3A_26], %rsqrt3A {strides = array<i32>} : memref<1280x128xf32, #tpu.memory_space<vmem>>, vector<1280x128xf32>,
    return
  }
}

module attributes {stable_mosaic.version = 14 : i64} {
  func.func @_tc2(%arg0: memref<2x1280x128xf32, #tpu.memory_space<vmem>>, %arg1: memref<1280x128xf32, #tpu.memory_space<vmem>>, %arg2: memref<1280x128xf32, #tpu.memory_space<vmem>>, %arg3: memref<128x128xf32, #tpu.memory_space<vmem>>, %arg4: memref<1x128xf32, #tpu.memory_space<vmem>>, %arg5: memref<1280x128xf32, #tpu.memory_space<vmem>>) attributes {dimension_semantics = [], scalar_prefetch = 0 : i64, scratch_operands = 0 : i64, tpu.core_type = #tpu.core_type<tc>} {
    %get3A = arith.constant 0 : index
    %get3A_0 = arith.constant 0 : index
    %get3A_1 = vector.load %arg2[%get3A, %get3A_0] : memref<1280x128xf32, #tpu.memory_space<vmem>>, vector<1280x128xf32>
    %get3A_2 = arith.constant 0 : index
    %get3A_3 = arith.constant 0 : index
    %get3A_4 = arith.constant 0 : index
    %get3A_5 = vector.load %arg0[%get3A_2, %get3A_3, %get3A_4] : memref<2x1280x128xf32, #tpu.memory_space<vmem>>, vector<1x1280x128xf32>
    %get3A_6 = vector.shape_cast %get3A_5 : vector<1x1280x128xf32> to vector<1280x128xf32>
    %get3A_7 = arith.constant 1 : index
    %get3A_8 = arith.constant 0 : index
    %get3A_9 = arith.constant 0 : index
    %get3A_10 = vector.load %arg0[%get3A_7, %get3A_8, %get3A_9] : memref<2x1280x128xf32, #tpu.memory_space<vmem>>, vector<1x1280x128xf32>
    %get3A_11 = vector.shape_cast %get3A_10 : vector<1x1280x128xf32> to vector<1280x128xf32>
    %add3A = arith.addf %get3A_6, %get3A_11 : vector<1280x128xf32>
    %get3A_12 = arith.constant 0 : index
    %get3A_13 = arith.constant 0 : index
    %get3A_14 = vector.load %arg1[%get3A_12, %get3A_13] : memref<1280x128xf32, #tpu.memory_space<vmem>>, vector<1280x128xf32>
    %add3A_15 = arith.addf %add3A, %get3A_14 : vector<1280x128xf32>
    %mul3A = arith.mulf %get3A_1, %add3A_15 : vector<1280x128xf32>
    %get3A_16 = arith.constant 0 : index
    %get3A_17 = arith.constant 0 : index
    %get3A_18 = vector.load %arg4[%get3A_16, %get3A_17] : memref<1x128xf32, #tpu.memory_space<vmem>>, vector<1x128xf32>
    %add3A_19 = vector.broadcast %get3A_18 : vector<1x128xf32> to vector<1280x128xf32>
    %add3A_20 = arith.addf %mul3A, %add3A_19 : vector<1280x128xf32>
    %max3A = arith.constant 0.000000e+00 : f32
    %max3A_21 = vector.broadcast %max3A : f32 to vector<1280x128xf32>
    %max3A_22 = arith.maximumf %add3A_20, %max3A_21 : vector<1280x128xf32>
    %get3A_23 = arith.constant 0 : index
    %get3A_24 = arith.constant 0 : index
    %get3A_25 = vector.load %arg3[%get3A_23, %get3A_24] : memref<128x128xf32, #tpu.memory_space<vmem>>, vector<128x128xf32>
    %dot_general3A = arith.constant dense<0.000000e+00> : vector<1280x128xf32>
    %dot_general3A_26 = tpu.matmul %max3A_22, %get3A_25, %dot_general3A {dimension_numbers = #tpu.dot_dimension_numbers<[1], [0], [0], [1], [0, 0, 1, 1], [], []>, transpose_lhs_hint = false} : vector<1280x128xf32>, vector<128x128xf32>, vector<1280x128xf32> -> vector<1280x128xf32>
    %get3A_27 = arith.constant 0 : index
    %get3A_28 = arith.constant 0 : index
    %get3A_29 = vector.load %arg2[%get3A_27, %get3A_28] : memref<1280x128xf32, #tpu.memory_space<vmem>>, vector<1280x128xf32>
    %mul3A_30 = arith.mulf %dot_general3A_26, %get3A_29 : vector<1280x128xf32>
    %swap3A = arith.constant 0 : index
    %swap3A_31 = arith.constant 0 : index
    %swap3A_32 = vector.load %arg5[%swap3A, %swap3A_31] : memref<1280x128xf32, #tpu.memory_space<vmem>>, vector<1280x128xf32>
    tpu.vector_store %arg5[%swap3A, %swap3A_31], %mul3A_30 {strides = array<i32>} : memref<1280x128xf32, #tpu.memory_space<vmem>>, vector<1280x128xf32>,
    return
  }
}

module attributes {stable_mosaic.version = 14 : i64} {
  func.func @_tc3(%arg0: memref<2x1280x128xf32, #tpu.memory_space<vmem>>, %arg1: memref<1280x128xf32, #tpu.memory_space<vmem>>, %arg2: memref<1280x128xf32, #tpu.memory_space<vmem>>, %arg3: memref<1x128xf32, #tpu.memory_space<vmem>>, %arg4: memref<1250x128xf32, #tpu.memory_space<vmem>>) attributes {dimension_semantics = [], scalar_prefetch = 0 : i64, scratch_operands = 0 : i64, tpu.core_type = #tpu.core_type<tc>} {
    %get3A = arith.constant 0 : index
    %get3A_0 = arith.constant 0 : index
    %get3A_1 = vector.load %arg2[%get3A, %get3A_0] : memref<1280x128xf32, #tpu.memory_space<vmem>>, vector<1250x128xf32>
    %get3A_2 = arith.constant 0 : index
    %get3A_3 = arith.constant 0 : index
    %get3A_4 = arith.constant 0 : index
    %get3A_5 = vector.load %arg0[%get3A_2, %get3A_3, %get3A_4] : memref<2x1280x128xf32, #tpu.memory_space<vmem>>, vector<1x1250x128xf32>
    %get3A_6 = vector.shape_cast %get3A_5 : vector<1x1250x128xf32> to vector<1250x128xf32>
    %get3A_7 = arith.constant 1 : index
    %get3A_8 = arith.constant 0 : index
    %get3A_9 = arith.constant 0 : index
    %get3A_10 = vector.load %arg0[%get3A_7, %get3A_8, %get3A_9] : memref<2x1280x128xf32, #tpu.memory_space<vmem>>, vector<1x1250x128xf32>
    %get3A_11 = vector.shape_cast %get3A_10 : vector<1x1250x128xf32> to vector<1250x128xf32>
    %add3A = arith.addf %get3A_6, %get3A_11 : vector<1250x128xf32>
    %get3A_12 = arith.constant 0 : index
    %get3A_13 = arith.constant 0 : index
    %get3A_14 = vector.load %arg1[%get3A_12, %get3A_13] : memref<1280x128xf32, #tpu.memory_space<vmem>>, vector<1250x128xf32>
    %add3A_15 = arith.addf %add3A, %get3A_14 : vector<1250x128xf32>
    %mul3A = arith.mulf %get3A_1, %add3A_15 : vector<1250x128xf32>
    %get3A_16 = arith.constant 0 : index
    %get3A_17 = arith.constant 0 : index
    %get3A_18 = vector.load %arg3[%get3A_16, %get3A_17] : memref<1x128xf32, #tpu.memory_space<vmem>>, vector<1x128xf32>
    %add3A_19 = vector.broadcast %get3A_18 : vector<1x128xf32> to vector<1250x128xf32>
    %add3A_20 = arith.addf %mul3A, %add3A_19 : vector<1250x128xf32>
    %logistic3A = arith.negf %add3A_20 : vector<1250x128xf32>
    %logistic3A_21 = math.exp %logistic3A : vector<1250x128xf32>
    %logistic3A_22 = arith.constant 1.000000e+00 : f32
    %logistic3A_23 = vector.broadcast %logistic3A_22 : f32 to vector<1250x128xf32>
    %logistic3A_24 = arith.addf %logistic3A_23, %logistic3A_21 : vector<1250x128xf32>
    %logistic3A_25 = arith.divf %logistic3A_23, %logistic3A_24 : vector<1250x128xf32>
    %swap3A = arith.constant 0 : index
    %swap3A_26 = arith.constant 0 : index
    %swap3A_27 = vector.load %arg4[%swap3A, %swap3A_26] : memref<1250x128xf32, #tpu.memory_space<vmem>>, vector<1250x128xf32>
    tpu.vector_store %arg4[%swap3A, %swap3A_26], %logistic3A_25 {strides = array<i32>} : memref<1250x128xf32, #tpu.memory_space<vmem>>, vector<1250x128xf32>,
    return
  }
}

</mosaic_0001>

<sc_bundles>
// kernel: kernel.11.cloned.1.call-start
scs
__scs_entry_jumppad:
0x0: {  	(pc) =	sbr.rel $0x88, $3  }
0x1: {  	(tag) =	ssettag $0x0;
	lr =	simm.s32 $0x1  }
0x2: {  	[smem:$0x3F9B] =	sst lr;
	_ =	strace $0xD0000000  }
0x3: {  	_ = 	snop  }
0x4: {  	_ = 	snop  }
0x5: {  	_ = 	snop  }
0x6: {  	_ = 	snop  }
0x7: {  	_ = 	snop  }
__scs_overlays_trampoline_lowered:
0x8: {  	[smem:$0x3FAA] =	sst s0  }
0x9: {  	[smem:$0x3FAB] =	sst s1  }
0xa: {  	[smem:$0x3FAC] =	sst s2  }
0xb: {  	[smem:$0x3FAD] =	sst s3  }
0xc: {  	[smem:$0x3FAE] =	sst s4  }
0xd: {  	[smem:$0x3FAF] =	sst s5  }
0xe: {  	[smem:$0x3FB0] =	sst s6  }
0xf: {  	[smem:$0x3FB1] =	sst s7  }
0x10: {  	[smem:$0x3FB2] =	sst s8  }
0x11: {  	[smem:$0x3FB3] =	sst s9;
	s0 =	simm.s32 @!p0 $0x0  }
0x12: {  	s1 =	sld [smem:$0x3F99];
	s0 =	simm.s32 @p0 $0x1  }
0x13: {  	[smem:$0x3FB4] =	sst s0;
	s0 =	simm.s32 @!p1 $0x0  }
0x14: {  	s2 =	sld [smem:$0x3F98];
	s0 =	simm.s32 @p1 $0x1  }
0x15: {  	[smem:$0x3FB5] =	sst s0;
	s0 =	simm.s32 @!p2 $0x0  }
0x16: {  	s3 =	sld [smem:$0x3FDB];
	s0 =	simm.s32 @p2 $0x1  }
0x17: {  	s4 =	simm.s32 $0x1BF5;
	[smem:$0x3FB7] =	sst s0  }
0x18: {  	s0 =	sld [smem:$0x3F9A];
	_ =	swait.ge [sflag:s4], $0x0  }
0x19: {  	s7 =	sld [smem:$0x3F9B]  }
0x1a: {  	s8 =	sadd.s32 $0xFFFFE003, lr  }
0x1b: {  	s9 =	sadd.s32 $0xFFFFFEF7, lr;
	s5 =	simm.s32 $0xFFFFFFFF;
	p2 =	slt.u32 s8, $0xFFFFF086  }
0x1c: {  	p1 =	slt.u32 s9, $0xF7A;
	s5 =	simm.s32 @!p2 $0x0  }
0x1d: {  	s5 =	simm.s32 @p1 $0x1;
	p0 =	seq.s32 s7, s2  }
0x1e: {  	s7 =	smul.u32 @!p0 $0xF7A, s2;
	p2 =	seq.s32 @!p0 s5, $0x0  }
0x1f: {  	s9 =	smul.u32 $0xF7A, s1;
	s8 =	simm.s32 @!p0 $0x1BF5;
	p2 =	por !p2, p0  }
0x20: {  	[sflag:s8] =	ssyncset.s32 @!p0 $0xFFFFF086;
	s6 =	sadd.s32 @!p0 s3, s7;
	s7 =	simm.s32 @!p0 $0x108  }
0x21: {  	s3 =	sadd.s32 s3, s9;
	s6 =	sadd.s32 @!p0 $0x88, s6;
	s7 =	simm.s32 @p2 $0x1082  }
0x22: {  	[simem:s7], [sflag:s8] =	dma.local @!p0 [hbm:s6], $0xF7A  }
0x23: {  	s9 =	sor.u32 $0xD0000000, s2;
	s6 =	simm.s32 $0x108;
	_ =	swait.ge @!p0 [sflag:s8], $0x0  }
0x24: {  	s3 =	sadd.s32 $0x88, s3;
	s6 =	simm.s32 @!p1 $0x1082;
	[sflag:s4] =	ssyncset.s32 $0xFFFFF086  }
0x25: {  	[simem:s6], [sflag:s4] =	dma.local [hbm:s3], $0xF7A  }
0x26: {  	[smem:$0x3F9B] =	sst s1;
	(tag) =	ssettag s2;
	_ =	strace s9  }
0x27: {  	s1 =	sld [smem:$0x3FAB]  }
0x28: {  	s2 =	sld [smem:$0x3FAC]  }
0x29: {  	s4 =	sld [smem:$0x3FAE]  }
0x2a: {  	p0 =	seq.s32 s5, $0x0;
	s5 =	sld [smem:$0x3FAF]  }
0x2b: {  	s6 =	sld [smem:$0x3FB0]  }
0x2c: {  	s7 =	sld [smem:$0x3FB1]  }
0x2d: {  	s3 =	simm.s32 $0x108;
	s8 =	sld [smem:$0x3FB2]  }
0x2e: {  	s3 =	simm.s32 @!p0 $0x1082;
	s9 =	sld [smem:$0x3FB3]  }
0x2f: {  	lr =	sadd.s32 s0, s3;
	s0 =	sld [smem:$0x3FAA]  }
0x30: {  	s3 =	sld [smem:$0x3FAD]  }
0x31: {  	[smem:$0x3FB6] =	sst s10  }
0x32: {  	s10 =	sld [smem:$0x3FB4];
	_ =	sdelay $0x3  }
0x33: {  	p0 =	seq.s32 s10, $0x1;
	s10 =	sld [smem:$0x3FB6];
	_ =	sdelay $0x3  }
0x34: {  	[smem:$0x3FB6] =	sst s10  }
0x35: {  	s10 =	sld [smem:$0x3FB5];
	_ =	sdelay $0x3  }
0x36: {  	p1 =	seq.s32 s10, $0x1;
	s10 =	sld [smem:$0x3FB6];
	_ =	sdelay $0x3  }
0x37: {  	[smem:$0x3FB6] =	sst s10  }
0x38: {  	s10 =	sld [smem:$0x3FB7]  }
0x39: {  	_ = 	snop;
	(pc) =	sbr.ind lr, $3  }
0x3a: {  	_ = 	snop  }
0x3b: {  	_ = 	snop  }
0x3c: {  	p2 =	seq.s32 s10, $0x1;
	s10 =	sld [smem:$0x3FB6]  }
0x3d: {  	_ =	shalt  }
0x3e: {  	_ =	shalt  }
0x3f: {  	_ =	shalt  }
0x40: {  	_ =	shalt  }
0x41: {  	_ =	shalt  }
0x42: {  	_ =	shalt  }
0x43: {  	_ =	shalt  }
0x44: {  	_ =	shalt  }
0x45: {  	_ =	shalt  }
0x46: {  	_ =	shalt  }
0x47: {  	_ =	shalt  }
0x48: {  	_ =	shalt  }
0x49: {  	_ =	shalt  }
0x4a: {  	_ =	shalt  }
0x4b: {  	_ =	shalt  }
0x4c: {  	_ =	shalt  }
0x4d: {  	_ =	shalt  }
0x4e: {  	_ =	shalt  }
0x4f: {  	_ =	shalt  }
0x50: {  	_ =	shalt  }
0x51: {  	_ =	shalt  }
0x52: {  	_ =	shalt  }
0x53: {  	_ =	shalt  }
0x54: {  	_ =	shalt  }
0x55: {  	_ =	shalt  }
0x56: {  	_ =	shalt  }
0x57: {  	_ =	shalt  }
0x58: {  	_ =	shalt  }
0x59: {  	_ =	shalt  }
0x5a: {  	_ =	shalt  }
0x5b: {  	_ =	shalt  }
0x5c: {  	_ =	shalt  }
0x5d: {  	_ =	shalt  }
0x5e: {  	_ =	shalt  }
0x5f: {  	_ =	shalt  }
0x60: {  	_ =	shalt  }
0x61: {  	_ =	shalt  }
0x62: {  	_ =	shalt  }
0x63: {  	_ =	shalt  }
0x64: {  	_ =	shalt  }
0x65: {  	_ =	shalt  }
0x66: {  	_ =	shalt  }
0x67: {  	_ =	shalt  }
0x68: {  	_ =	shalt  }
0x69: {  	_ =	shalt  }
0x6a: {  	_ =	shalt  }
0x6b: {  	_ =	shalt  }
0x6c: {  	_ =	shalt  }
0x6d: {  	_ =	shalt  }
0x6e: {  	_ =	shalt  }
0x6f: {  	_ =	shalt  }
0x70: {  	_ =	shalt  }
0x71: {  	_ =	shalt  }
0x72: {  	_ =	shalt  }
0x73: {  	_ =	shalt  }
0x74: {  	_ =	shalt  }
0x75: {  	_ =	shalt  }
0x76: {  	_ =	shalt  }
0x77: {  	_ =	shalt  }
0x78: {  	_ =	shalt  }
0x79: {  	_ =	shalt  }
0x7a: {  	_ =	shalt  }
0x7b: {  	_ =	shalt  }
0x7c: {  	_ =	shalt  }
0x7d: {  	_ =	shalt  }
0x7e: {  	_ =	shalt  }
0x7f: {  	_ =	shalt  }
0x80: {  	_ =	shalt  }
0x81: {  	_ =	shalt  }
0x82: {  	_ =	shalt  }
0x83: {  	_ =	shalt  }
0x84: {  	_ =	shalt  }
0x85: {  	_ =	shalt  }
0x86: {  	_ =	shalt  }
0x87: {  	_ =	shalt  }
.Lfunc_end0:
.L_simem_size_0:
called_computation.1_lowered:
.L_overlay_start_0:
0x88: {  	s2 =	sld [smem:$0x3FD9]  }
0x89: {  	s3 =	sld [smem:$0x3FFE];
	_ =	sdelay $0x1  }
0x8a: {  	s1 =	srdreg.scid  }
0x8b: {  	s0 =	sand.u32 $0x1, s1  }
0x8c: {  	s16 =	sshll.u32 s0, $0xA;
	s2 =	sadd.s32 s3, s2  }
0x8d: {  	s2 =	sadd.s32 s2, s16  }
0x8e: {  	[smem:$0x3FC2] =	sst s2  }
0x8f: {  	_ = 	snop  }
0x90: {  	(tm) =	ssettm $0x1  }
0x91: {  	s17 =	sld [smem:$0x3FFB];
	_ =	sdelay $0x3  }
0x92: {  	_ =	strace s17  }
0x93: {  	s2 =	sld [smem:$0x3FFC];
	_ =	sdelay $0x3  }
0x94: {  	_ =	strace s2  }
0x95: {  	s2 =	sld [smem:$0x3FFD];
	_ =	sdelay $0x3  }
0x96: {  	_ =	strace s2  }
0x97: {  	_ =	strace $0x8FFFFFFF  }
0x98: {  	s18 =	sld [smem:$0x3FDB];
	_ =	sdelay $0x1  }
0x99: {  	s19 =	simm.s32 $_scs_section_size  }
0x9a: {  	s4 =	simm.s32 $_size__tile_overlayer_lowered;
	s5 =	simm.s32 $_tile_overlayer_lowered  }
0x9b: {  	s22 =	simm.s32 $0x1BFF;
	s21 =	sshll.u32 s5, $0x1;
	s2 =	sadd.s32 s19, s18  }
0x9c: {  	s6 =	simm.s32 $0x0;
	s20 =	sshll.u32 s4, $0x1;
	s4 =	sadd.s32 s21, s2  }
0x9d: {  	[timem:s6], [sflag:s22] =	dma.local [hbm:s4], s20  }
0x9e: {  	_ =	swait.ge [sflag:s22], s20  }
0x9f: {  	s3 =	ssub.s32 $0x0, s20;
	[sflag:s22] =	ssyncset.done $0x0  }
0xa0: {  	[sflag:s22] =	ssyncadd.s32 s3;
	_ =	sdelay $0x1  }
0xa1: {  	s23 =	simm.s32 $0x1B8B  }
0xa2: {  	_ =	swait.ge [sflag:s23], $0x1  }
0xa3: {  	[sflag:s23] =	ssyncset.done $0x0  }
0xa4: {  	s25 =	simm.s32 $0x1B8E;
	s24 =	sld [smem:$0x3FFE];
	[sflag:s23] =	ssyncadd.s32 $0xFFFFFFFF  }
0xa5: {  	s26 =	simm.s32 $execute0_lowered;
	[smem:$0x3FD2] =	sst s25  }
0xa6: {  	s4 =	sshll.u32 s26, $0x1;
	_ =	strace $0x80000049;
	[dreg:$0x1] =	wrdreg $0xFFFFFFFF  }
0xa7: {  	s28 =	simm.s32 $_size_execute0_lowered;
	s2 =	sadd.s32 s2, s4;
	[dreg:$0x0] =	wrdreg $0x0  }
0xa8: {  	s4 =	sshll.u32 s28, $0x1;
	[dreg:$0x2] =	wrdreg s2  }
0xa9: {  	[dreg:$0x3] =	wrdreg s4  }
0xaa: {  	[dreg:$0x4] =	wrdreg $0xC0  }
0xab: {  	_ =	task [dreg:s6], $0x5FFFF  }
0xac: {  	[dreg:$0x1] =	wrdreg $0xFFFFFFFF  }
0xad: {  	[dreg:$0x0] =	wrdreg $0x60  }
0xae: {  	[dreg:$0x2] =	wrdreg s24  }
0xaf: {  	[dreg:$0x3] =	wrdreg $0xB7000  }
0xb0: {  	[dreg:$0x4] =	wrdreg $0x9  }
0xb1: {  	_ =	task.clear_ibuf [dreg:s6], $0x5FFFF;
	_ =	strace $0x90000049  }
0xb2: {  	s29 =	simm.s32 $0x9;
	_ =	strace $0x8000004B  }
0xb3: {  	_ =	swait.ge [sflag:s29], $0x1  }
0xb4: {  	[sflag:s29] =	ssyncadd.s32 $0xFFFFFFFF  }
0xb5: {  	_ =	strace $0x9000004B  }
0xb6: {  	_ =	sfence  }
0xb7: {  	s30 =	sld [smem:$0x0];
	_ =	sdelay $0x2  }
0xb8: {  	s31 =	sshll.u32 s1, $0xD;
	s1 =	sshrl.u32 s1, $0x2  }
0xb9: {  	s3 =	sand.u32 $0x4000, s31;
	s1 =	sadd.s32 s1, s30  }
0xba: {  	s0 =	sor.u32 s3, s0;
	s1 =	sshll.u32 s1, $0x11  }
0xbb: {  	s0 =	sor.u32 s1, s0  }
0xbc: {  	s0 =	sadd.s32 $0x8F2B, s0  }
0xbd: {  	[sflag:s0] =	ssyncadd.remote.s32 $0x1  }
0xbe: {  	_ =	sfence.sel $0xFFFF  }
0xbf: {  	[dreg:$0x0] =	wrdreg $0xFFFFFFFF;
	(pc) =	sbr.abs _section_cstart, $3  }
0xc0: {  	[dreg:$0x1] =	wrdreg $0xFFFFFFFF  }
0xc1: {  	_ =	task.clear_ibuf [dreg:s6], $0x2FFFF;
	_ =	strace $0x9FFFFFFF  }
0xc2: {  	(tm) =	ssettm $0x7FFFFFFF  }
0xc3: {  	_ =	shalt  }
tec
execute0_lowered:
.L_overlay_start_1:
0x0: {  	(tag) =	ssettag $0x1  }
0x1: {  	s0 =	rddreg [dreg:$0x0]  }
0x2: {  	s1 =	rddreg [dreg:$0x1];
	s3 =	simm.s32 $0x0  }
0x3: {  	s2 =	srdreg.scid;
	s8 =	stileid.u32;
	s13 =	simm.s32 $0x4F  }
0x4: {  	s10 =	simm.s32 $0x1;
	s12 =	simm.s32 $0x80;
	s19 =	simm.s32 $0x5  }
0x5: {  	s28 =	simm.s32 $0x3;
	s31 =	simm.s32 $0x8F00;
	[smem:$0x7FF] =	sst s3  }
0x6: {  	s2 =	sand.u32 $0x1, s2;
	s5 =	smul.u32 $0x2800, s8;
	s6 =	sadd.s32 $0x2C00, s0  }
0x7: {  	_ =	strace $0x8000004A;
	s4 =	sshll.u32 s2, $0x4;
	s7 =	smul.u32 $0x28000, s2  }
0x8: {  	s2 =	ssub.s32 $0x2, s2;
	s8 =	sor.u32 s8, s4;
	s4 =	sadd.s32 $0x16600, s0  }
0x9: {  	s20 =	sshrl.u32 s2, $0x1;
	s11 =	sadd.s32 s5, s1;
	p0 =	slt.u32 s8, $0x4  }
0xa: {  	s7 =	sadd.s32 s5, s7;
	s9 =	smul.u32 $0x4E, s8;
	s2 =	ssub.s32 s2, s20  }
0xb: {  	s5 =	simm.s32 $0x2;
	s13 =	simm.s32 @!p0 $0x4E;
	p0 =	sgt.u32 s8, $0x3  }
0xc: {  	s8 =	smin.u32 s8, $0x4;
	s7 =	sshrl.u32 s7, $0x3;
	s10 =	simm.s32 @!p0 $0x0  }
0xd: {  	s8 =	sadd.s32 s8, s9;
	s0 =	sadd.s32 s7, s0;
	s7 =	simm.s32 $0x1  }
0xe: {  	s5 =	simm.s32 @!p0 $0x1;
	s19 =	simm.s32 @!p0 $0x4;
	s17 =	smov.u32 s13  }
0xf: {  	s8 =	ssub.s32 s8, s10;
	s22 =	sshll.u32 s5, $0xB;
	s5 =	sshll.u32 s5, $0x7  }
0x10: {  	s26 =	sshll.u32 s10, $0xB;
	s30 =	sshll.u32 s10, $0x7;
	s8 =	sshll.u32 s8, $0x7  }
0x11: {  	s29 =	sadd.s32 s10, s13;
	s21 =	sshrl.u32 s8, $0x3;
	s8 =	sadd.s32 $0x4E200, s8  }
0x12: {  	[dreg:$0x8] =	wrdreg s5;
	s9 =	sadd.s32 s6, s21;
	s8 =	sshrl.u32 s8, $0x3  }
0x13: {  	s21 =	sadd.s32 $0x1B600, s0;
	s0 =	simm.s32 $0x0;
	[dreg:$0x3] =	wrdreg s9  }
0x14: {  	s9 =	simm.s32 $0x5700;
	s6 =	sadd.s32 s6, s8;
	s8 =	sadd.s32 $0x4F00, s22  }
0x15: {  	[dreg:$0x5] =	wrdreg s6;
	s9 =	simm.s32 @!p0 $0x4F00;
	s6 =	simm.s32 $0x80  }
0x16: {  	s22 =	smax.u32 s2, $0x1;
	[dreg:$0x4] =	wrdreg s9;
	s6 =	simm.s32 @!p0 $0x0  }
0x17: {  	s9 =	simm.s32 $0x4;
	[dreg:$0x6] =	wrdreg s6;
	s6 =	simm.s32 $0x3  }
0x18: {  	[dreg:$0x7] =	wrdreg s8;
	s9 =	simm.s32 @!p0 $0x3;
	s6 =	simm.s32 @!p0 $0x2  }
0x19: {  	s25 =	sshll.u32 s9, $0xB;
	s20 =	sshll.u32 s9, $0x7;
	s9 =	sor.u32 $0x200, s30  }
0x1a: {  	s23 =	sshll.u32 s6, $0xB;
	s6 =	sshll.u32 s6, $0x7;
	s18 =	sadd.s32 $0x4F00, s25  }
0x1b: {  	s25 =	sadd.s32 $0x2780, s30;
	s24 =	sadd.s32 $0x4F00, s23;
	[dreg:$0xa] =	wrdreg s6  }
0x1c: {  	v0 =	vimm.f32 $0.0e+00;
	s23 =	sor.u32 $0x2000, s26;
	s26 =	simm.s32 $0x2;
	[dreg:$0x9] =	wrdreg s24  }
.LBB2_1:
0x1d: {  	s2 =	rddreg [dreg:$0x3]  }
0x1e: {  	[tilespmem:s3], [sflag:$0x3] =	stream.linear.gather [hbm4b:s2+s3], $0x2780, $0x38;
	[tilespmem:$0xDF00] =	vst v63  }
0x1f: {  	_ =	swait.ge [sflag:s28], $0x2780  }
0x20: {  	[sflag:s28] =	ssyncset.done $0x0  }
0x21: {  	s5 =	simm.s32 $0x2780;
	s30 =	rddreg [dreg:$0x5];
	[sflag:s28] =	ssyncadd.s32 $0xFFFFD880  }
0x22: {  	[tilespmem:s5], [sflag:$0x3] =	stream.linear.gather [hbm4b:s30+s3], $0x2780, $0x38;
	[tilespmem:$0xDF00] =	vst v63  }
0x23: {  	_ =	swait.ge [sflag:s28], $0x2780  }
0x24: {  	[sflag:s28] =	ssyncset.done $0x0  }
0x25: {  	s2 =	simm.s32 $0x40;
	s5 =	simm.s32 $0x0;
	[sflag:s28] =	ssyncadd.s32 $0xFFFFD880  }
.LBB2_2:
0x26: {  	p0 =	sne.s32 s2, $0x9FC0;
	[tilespmem:s5+$0x8F00] =	vst v0;
	s5 =	smov.u32 s2;
	s2 =	sadd.s32 $0x40, s2  }
.Ltmp0:
0x27: {  	(pc) =	sbr.rel @p0 .LBB2_2-.Ltmp0, $2  }
0x28: {  	_ =	sdelay $0x2  }
0x29: {  	s5 =	sshra.s32 s5, $0x2  }
0x2a: {  	[tilespmem:s5+$0x8F00] =	vst v0  }
0x2b: {  	[spmem:s11] =	stream.linear.scatter [tilespmem:s31], [sflag:$0x3], $0x2800, $0x38;
	[tilespmem:$0xDF00] =	vst v63  }
0x2c: {  	_ =	swait.ge [sflag:s28], $0x2800  }
0x2d: {  	[sflag:s28] =	ssyncset.done $0x0  }
0x2e: {  	[sflag:s28] =	ssyncadd.s32 $0xFFFFD800  }
0x2f: {  	[bflag:$0x0] =	sbarrier.arrive $0xFFFF  }
0x30: {  	s2 =	rddreg [dreg:$0x4]  }
0x31: {  	s6 =	rddreg [dreg:$0x6]  }
0x32: {  	s16 =	sadd.s32 $0x4, s10;
	s8 =	rddreg [dreg:$0x7]  }
0x33: {  	p0 =	sge.u32 s16, s29;
	s13 =	rddreg [dreg:$0x8]  }
0x34: {  	[tilespmem:s2], [sflag:$0x1] =	stream.indirect.gather [hbm4b:s4+s12], $0x10, s6, s12, $0xb8;
	[tilespmem:$0xDF00] =	vst v63  }
0x35: {  	s30 =	sadd.s32 $0x80, s25;
	p1 =	slt.u32 @!p0 s10, s19;
	s14 =	rddreg [dreg:$0x9]  }
0x36: {  	[tilespmem:s8], [sflag:$0x1] =	stream.indirect.gather [hbm4b:s4+s12], $0x10, s13, s12, $0xb8;
	[tilespmem:$0xDF00] =	vst v63  }
0x37: {  	s15 =	rddreg [dreg:$0xa];
	s2 =	sadd.s32 $0xFFFFFFFF, s17;
	s6 =	sadd.s32 $0xFFFFE000, s23  }
0x38: {  	[tilespmem:s14], [sflag:$0x1] =	stream.indirect.gather [hbm4b:s4+s12], $0x10, s15, s12, $0xb8;
	[tilespmem:$0xDF00] =	vst v63  }
0x39: {  	p1 =	por p1, p0;
	p2 =	sne.s32 s2, $0x0;
	s24 =	sand.u32 $0x3800, s6  }
0x3a: {  	[tilespmem:s18], [sflag:$0x1] =	stream.indirect.gather [hbm4b:s4+s12], $0x10, s20, s12, $0xb8;
	[tilespmem:$0xDF00] =	vst v63  }
0x3b: {  	s6 =	sand.u32 @!p0 $0x3800, s23;
	s5 =	sadd.s32 $0x4F00, s24;
	_ =	swait.ge [sflag:s7], $0x800  }
.Ltmp1:
0x3c: {  	s13 =	simm.s32 @!p0 $0x80;
	[sflag:s7] =	ssyncset.done $0x0;
	(pc) =	sbr.rel @!p2 .LBB2_5-.Ltmp1, $4  }
0x3d: {  	s8 =	sadd.s32 $0x800, s23;
	s14 =	simm.s32 @!p1 $0x2;
	[sflag:s7] =	ssyncadd.s32 $0xFFFFF800  }
0x3e: {  	[spmem:s1] =	stream.indirect.scatter.add.f32 [tilespmem:s5], [sflag:$0x2], $0x10, s25, s12, $0xb8;
	[tilespmem:$0xDF00] =	vst v63  }
0x3f: {  	s24 =	smov.u32 s9;
	s15 =	sadd.s32 @!p0 $0x4F00, s6;
	_ =	swait.ge @!p1 [sflag:s14], $0x800  }
0x40: {  	s6 =	smov.u32 s10;
	s5 =	sadd.s32 $0x80, s9;
	[sflag:s14] =	ssyncset.done @!p1 $0x0  }
.LBB2_4:
0x41: {  	s2 =	sadd.s32 $0xFFFFFFFF, s2;
	[sflag:s14] =	ssyncadd.s32 @!p1 $0xFFFFF800;
	s6 =	sadd.s32 $0x1, s6  }
0x42: {  	[tilespmem:s15], [sflag:$0x1] =	stream.indirect.gather @!p0 [hbm4b:s4+s13], $0x10, s24, s13, $0xb8;
	[tilespmem:$0xDF00] =	vst v63  }
0x43: {  	p2 =	sne.s32 s2, $0x0;
	s13 =	smov.u32 s30;
	s24 =	smov.u32 s5  }
0x44: {  	s14 =	sadd.s32 $0x4, s6;
	s15 =	sadd.s32 $0xFFFFE000, s8  }
0x45: {  	p0 =	sge.u32 s14, s29;
	s14 =	sand.u32 $0x3800, s15;
	_ =	swait.ge [sflag:s7], $0x800  }
0x46: {  	p1 =	slt.u32 @!p0 s6, s19;
	s15 =	sadd.s32 $0x4F00, s14;
	[sflag:s7] =	ssyncset.done $0x0  }
.Ltmp2:
0x47: {  	p1 =	por p1, p0;
	[sflag:s7] =	ssyncadd.s32 $0xFFFFF800;
	(pc) =	sbr.rel @p2 .LBB2_4-.Ltmp2, $4  }
0x48: {  	s30 =	sadd.s32 $0x80, s30;
	s16 =	sand.u32 @!p0 $0x3800, s8;
	s14 =	simm.s32 @!p1 $0x2  }
0x49: {  	[spmem:s1] =	stream.indirect.scatter.add.f32 [tilespmem:s15], [sflag:$0x2], $0x10, s13, s12, $0xb8;
	[tilespmem:$0xDF00] =	vst v63  }
0x4a: {  	s5 =	sadd.s32 $0x80, s5;
	s15 =	sadd.s32 @!p0 $0x4F00, s16;
	_ =	swait.ge @!p1 [sflag:s14], $0x800  }
0x4b: {  	s8 =	sadd.s32 $0x800, s8;
	s13 =	simm.s32 @!p0 $0x80;
	[sflag:s14] =	ssyncset.done @!p1 $0x0  }
.LBB2_5:
0x4c: {  	[sflag:s14] =	ssyncadd.s32 @!p1 $0xFFFFF800  }
0x4d: {  	[tilespmem:s15], [sflag:$0x1] =	stream.indirect.gather @!p0 [hbm4b:s4+s13], $0x10, s24, s13, $0xb8;
	[tilespmem:$0xDF00] =	vst v63  }
0x4e: {  	_ =	swait.ge [sflag:s26], $0x800  }
0x4f: {  	[sflag:s26] =	ssyncset.done $0x0  }
0x50: {  	[sflag:s26] =	ssyncadd.s32 $0xFFFFF800  }
0x51: {  	_ =	swait.ge [sflag:s26], $0x800  }
0x52: {  	[sflag:s26] =	ssyncset.done $0x0  }
0x53: {  	[sflag:s26] =	ssyncadd.s32 $0xFFFFF800  }
0x54: {  	_ =	swait.ge [sflag:s26], $0x800  }
0x55: {  	[sflag:s26] =	ssyncset.done $0x0  }
0x56: {  	[sflag:s26] =	ssyncadd.s32 $0xFFFFF800  }
0x57: {  	_ =	swait.ge [sflag:s26], $0x800  }
0x58: {  	[sflag:s26] =	ssyncset.done $0x0  }
0x59: {  	[sflag:s26] =	ssyncadd.s32 $0xFFFFF800  }
0x5a: {  	_ =	swait.ge [sflag:s26], $0x800  }
0x5b: {  	[sflag:s26] =	ssyncset.done $0x0  }
0x5c: {  	[sflag:s26] =	ssyncadd.s32 $0xFFFFF800  }
0x5d: {  	_ =	swait.ge [sflag:s26], $0x800  }
0x5e: {  	[sflag:s26] =	ssyncset.done $0x0  }
0x5f: {  	[sflag:s26] =	ssyncadd.s32 $0xFFFFF800  }
0x60: {  	_ =	swait.ge [sflag:s26], $0x800  }
0x61: {  	[sflag:s26] =	ssyncset.done $0x0  }
0x62: {  	[sflag:s26] =	ssyncadd.s32 $0xFFFFF800  }
0x63: {  	_ =	swait.ge [sflag:s26], $0x800  }
0x64: {  	[sflag:s26] =	ssyncset.done $0x0  }
0x65: {  	[sflag:s26] =	ssyncadd.s32 $0xFFFFF800  }
0x66: {  	[bflag:$0x0] =	sbarrier.arrive $0xFFFF  }
0x67: {  	[tilespmem:s31], [sflag:$0x3] =	stream.linear.gather [spmem:s11], $0x2800, $0x38;
	[tilespmem:$0xDF00] =	vst v63  }
0x68: {  	s0 =	sadd.s32 $0x1, s0;
	_ =	swait.ge [sflag:s28], $0x2800  }
0x69: {  	p0 =	sne.s32 s0, s22;
	[sflag:s28] =	ssyncset.done $0x0  }
.Ltmp3:
0x6a: {  	[sflag:s28] =	ssyncadd.s32 $0xFFFFD800;
	(pc) =	sbr.rel @p0 .LBB2_1-.Ltmp3, $4  }
0x6b: {  	[hbm4b:s21+s3] =	stream.linear.scatter [tilespmem:s31], [sflag:$0x3], $0x2800, $0x38;
	[tilespmem:$0xDF00] =	vst v63  }
0x6c: {  	_ =	swait.ge [sflag:s28], $0x2800  }
0x6d: {  	[sflag:s28] =	ssyncset.done $0x0  }
0x6e: {  	[sflag:s28] =	ssyncadd.s32 $0xFFFFD800  }
0x6f: {  	_ =	sfence.sel $0x180000  }
0x70: {  	[bflag:$0x0] =	sbarrier.arrive $0xFFFF  }
0x71: {  	_ =	strace $0x9000004A  }
0x72: {  	s0 =	stileid.u32;
	[bflag:$0x2] =	sbarrier.arrive $0xFFFF  }
0x73: {  	p0 =	sne.s32 s0, $0x0;
	s0 =	rddreg [dreg:$0x2]  }
0x74: {  	s0 =	sadd.s32 @!p0 $0x100000, s0  }
0x75: {  	[sflag:s0] =	ssyncadd.tile.s32 @!p0 $0x1;
	_ =	shalt  }
.Lfunc_end2:
_tile_overlayer_lowered:
.L_overlay_start_2:
0x76: {  	(tag) =	ssettag $0x2  }
0x77: {  	s0 =	rddreg [dreg:$0x0];
	s2 =	stileid.u32  }
0x78: {  	s1 =	rddreg [dreg:$0x1];
	p0 =	sne.s32 s2, $0x0  }
0x79: {  	s3 =	rddreg [dreg:$0x2];
	[bflag:$0x3] =	sbarrier.arrive $0xFFFF;
	s2 =	simm.s32 @!p0 $0x1C03  }
0x7a: {  	[timem:s3], [sflag:s2] =	dma.local @!p0 [hbm:s0], s1  }
0x7b: {  	s0 =	simm.s32 @!p0 $0x3  }
0x7c: {  	_ =	swait.ge @!p0 [sflag:s0], s1  }
0x7d: {  	s1 =	ssub.s32 @!p0 $0x0, s1;
	[sflag:s0] =	ssyncset.done @!p0 $0x0  }
0x7e: {  	[sflag:s0] =	ssyncadd.s32 @!p0 s1  }
0x7f: {  	[bflag:$0x3] =	sbarrier.arrive $0xFFFF  }
0x80: {  	_ =	shalt  }

// kernel: kernel.14.cloned.1.call-start
scs
__scs_entry_jumppad:
0x0: {  	(pc) =	sbr.rel $0x88, $3  }
0x1: {  	(tag) =	ssettag $0x0;
	lr =	simm.s32 $0x1  }
0x2: {  	[smem:$0x3F9B] =	sst lr;
	_ =	strace $0xD0000000  }
0x3: {  	_ = 	snop  }
0x4: {  	_ = 	snop  }
0x5: {  	_ = 	snop  }
0x6: {  	_ = 	snop  }
0x7: {  	_ = 	snop  }
__scs_overlays_trampoline_lowered:
0x8: {  	[smem:$0x3FAA] =	sst s0  }
0x9: {  	[smem:$0x3FAB] =	sst s1  }
0xa: {  	[smem:$0x3FAC] =	sst s2  }
0xb: {  	[smem:$0x3FAD] =	sst s3  }
0xc: {  	[smem:$0x3FAE] =	sst s4  }
0xd: {  	[smem:$0x3FAF] =	sst s5  }
0xe: {  	[smem:$0x3FB0] =	sst s6  }
0xf: {  	[smem:$0x3FB1] =	sst s7  }
0x10: {  	[smem:$0x3FB2] =	sst s8  }
0x11: {  	[smem:$0x3FB3] =	sst s9;
	s0 =	simm.s32 @!p0 $0x0  }
0x12: {  	s1 =	sld [smem:$0x3F99];
	s0 =	simm.s32 @p0 $0x1  }
0x13: {  	[smem:$0x3FB4] =	sst s0;
	s0 =	simm.s32 @!p1 $0x0  }
0x14: {  	s2 =	sld [smem:$0x3F98];
	s0 =	simm.s32 @p1 $0x1  }
0x15: {  	[smem:$0x3FB5] =	sst s0;
	s0 =	simm.s32 @!p2 $0x0  }
0x16: {  	s3 =	sld [smem:$0x3FDB];
	s0 =	simm.s32 @p2 $0x1  }
0x17: {  	s4 =	simm.s32 $0x1BF5;
	[smem:$0x3FB7] =	sst s0  }
0x18: {  	s0 =	sld [smem:$0x3F9A];
	_ =	swait.ge [sflag:s4], $0x0  }
0x19: {  	s7 =	sld [smem:$0x3F9B]  }
0x1a: {  	s8 =	sadd.s32 $0xFFFFE003, lr  }
0x1b: {  	s9 =	sadd.s32 $0xFFFFFEF7, lr;
	s5 =	simm.s32 $0xFFFFFFFF;
	p2 =	slt.u32 s8, $0xFFFFF086  }
0x1c: {  	p1 =	slt.u32 s9, $0xF7A;
	s5 =	simm.s32 @!p2 $0x0  }
0x1d: {  	s5 =	simm.s32 @p1 $0x1;
	p0 =	seq.s32 s7, s2  }
0x1e: {  	s7 =	smul.u32 @!p0 $0xF7A, s2;
	p2 =	seq.s32 @!p0 s5, $0x0  }
0x1f: {  	s9 =	smul.u32 $0xF7A, s1;
	s8 =	simm.s32 @!p0 $0x1BF5;
	p2 =	por !p2, p0  }
0x20: {  	[sflag:s8] =	ssyncset.s32 @!p0 $0xFFFFF086;
	s6 =	sadd.s32 @!p0 s3, s7;
	s7 =	simm.s32 @!p0 $0x108  }
0x21: {  	s3 =	sadd.s32 s3, s9;
	s6 =	sadd.s32 @!p0 $0x88, s6;
	s7 =	simm.s32 @p2 $0x1082  }
0x22: {  	[simem:s7], [sflag:s8] =	dma.local @!p0 [hbm:s6], $0xF7A  }
0x23: {  	s9 =	sor.u32 $0xD0000000, s2;
	s6 =	simm.s32 $0x108;
	_ =	swait.ge @!p0 [sflag:s8], $0x0  }
0x24: {  	s3 =	sadd.s32 $0x88, s3;
	s6 =	simm.s32 @!p1 $0x1082;
	[sflag:s4] =	ssyncset.s32 $0xFFFFF086  }
0x25: {  	[simem:s6], [sflag:s4] =	dma.local [hbm:s3], $0xF7A  }
0x26: {  	[smem:$0x3F9B] =	sst s1;
	(tag) =	ssettag s2;
	_ =	strace s9  }
0x27: {  	s1 =	sld [smem:$0x3FAB]  }
0x28: {  	s2 =	sld [smem:$0x3FAC]  }
0x29: {  	s4 =	sld [smem:$0x3FAE]  }
0x2a: {  	p0 =	seq.s32 s5, $0x0;
	s5 =	sld [smem:$0x3FAF]  }
0x2b: {  	s6 =	sld [smem:$0x3FB0]  }
0x2c: {  	s7 =	sld [smem:$0x3FB1]  }
0x2d: {  	s3 =	simm.s32 $0x108;
	s8 =	sld [smem:$0x3FB2]  }
0x2e: {  	s3 =	simm.s32 @!p0 $0x1082;
	s9 =	sld [smem:$0x3FB3]  }
0x2f: {  	lr =	sadd.s32 s0, s3;
	s0 =	sld [smem:$0x3FAA]  }
0x30: {  	s3 =	sld [smem:$0x3FAD]  }
0x31: {  	[smem:$0x3FB6] =	sst s10  }
0x32: {  	s10 =	sld [smem:$0x3FB4];
	_ =	sdelay $0x3  }
0x33: {  	p0 =	seq.s32 s10, $0x1;
	s10 =	sld [smem:$0x3FB6];
	_ =	sdelay $0x3  }
0x34: {  	[smem:$0x3FB6] =	sst s10  }
0x35: {  	s10 =	sld [smem:$0x3FB5];
	_ =	sdelay $0x3  }
0x36: {  	p1 =	seq.s32 s10, $0x1;
	s10 =	sld [smem:$0x3FB6];
	_ =	sdelay $0x3  }
0x37: {  	[smem:$0x3FB6] =	sst s10  }
0x38: {  	s10 =	sld [smem:$0x3FB7]  }
0x39: {  	_ = 	snop;
	(pc) =	sbr.ind lr, $3  }
0x3a: {  	_ = 	snop  }
0x3b: {  	_ = 	snop  }
0x3c: {  	p2 =	seq.s32 s10, $0x1;
	s10 =	sld [smem:$0x3FB6]  }
0x3d: {  	_ =	shalt  }
0x3e: {  	_ =	shalt  }
0x3f: {  	_ =	shalt  }
0x40: {  	_ =	shalt  }
0x41: {  	_ =	shalt  }
0x42: {  	_ =	shalt  }
0x43: {  	_ =	shalt  }
0x44: {  	_ =	shalt  }
0x45: {  	_ =	shalt  }
0x46: {  	_ =	shalt  }
0x47: {  	_ =	shalt  }
0x48: {  	_ =	shalt  }
0x49: {  	_ =	shalt  }
0x4a: {  	_ =	shalt  }
0x4b: {  	_ =	shalt  }
0x4c: {  	_ =	shalt  }
0x4d: {  	_ =	shalt  }
0x4e: {  	_ =	shalt  }
0x4f: {  	_ =	shalt  }
0x50: {  	_ =	shalt  }
0x51: {  	_ =	shalt  }
0x52: {  	_ =	shalt  }
0x53: {  	_ =	shalt  }
0x54: {  	_ =	shalt  }
0x55: {  	_ =	shalt  }
0x56: {  	_ =	shalt  }
0x57: {  	_ =	shalt  }
0x58: {  	_ =	shalt  }
0x59: {  	_ =	shalt  }
0x5a: {  	_ =	shalt  }
0x5b: {  	_ =	shalt  }
0x5c: {  	_ =	shalt  }
0x5d: {  	_ =	shalt  }
0x5e: {  	_ =	shalt  }
0x5f: {  	_ =	shalt  }
0x60: {  	_ =	shalt  }
0x61: {  	_ =	shalt  }
0x62: {  	_ =	shalt  }
0x63: {  	_ =	shalt  }
0x64: {  	_ =	shalt  }
0x65: {  	_ =	shalt  }
0x66: {  	_ =	shalt  }
0x67: {  	_ =	shalt  }
0x68: {  	_ =	shalt  }
0x69: {  	_ =	shalt  }
0x6a: {  	_ =	shalt  }
0x6b: {  	_ =	shalt  }
0x6c: {  	_ =	shalt  }
0x6d: {  	_ =	shalt  }
0x6e: {  	_ =	shalt  }
0x6f: {  	_ =	shalt  }
0x70: {  	_ =	shalt  }
0x71: {  	_ =	shalt  }
0x72: {  	_ =	shalt  }
0x73: {  	_ =	shalt  }
0x74: {  	_ =	shalt  }
0x75: {  	_ =	shalt  }
0x76: {  	_ =	shalt  }
0x77: {  	_ =	shalt  }
0x78: {  	_ =	shalt  }
0x79: {  	_ =	shalt  }
0x7a: {  	_ =	shalt  }
0x7b: {  	_ =	shalt  }
0x7c: {  	_ =	shalt  }
0x7d: {  	_ =	shalt  }
0x7e: {  	_ =	shalt  }
0x7f: {  	_ =	shalt  }
0x80: {  	_ =	shalt  }
0x81: {  	_ =	shalt  }
0x82: {  	_ =	shalt  }
0x83: {  	_ =	shalt  }
0x84: {  	_ =	shalt  }
0x85: {  	_ =	shalt  }
0x86: {  	_ =	shalt  }
0x87: {  	_ =	shalt  }
.Lfunc_end0:
.L_simem_size_0:
called_computation.2_lowered:
.L_overlay_start_0:
0x88: {  	s2 =	sld [smem:$0x3FD9]  }
0x89: {  	s3 =	sld [smem:$0x3FFE];
	_ =	sdelay $0x1  }
0x8a: {  	s1 =	srdreg.scid  }
0x8b: {  	s0 =	sand.u32 $0x1, s1  }
0x8c: {  	s16 =	sshll.u32 s0, $0xA;
	s2 =	sadd.s32 s3, s2  }
0x8d: {  	s2 =	sadd.s32 s2, s16  }
0x8e: {  	[smem:$0x3FC2] =	sst s2  }
0x8f: {  	_ = 	snop  }
0x90: {  	(tm) =	ssettm $0x1  }
0x91: {  	s17 =	sld [smem:$0x3FFB];
	_ =	sdelay $0x3  }
0x92: {  	_ =	strace s17  }
0x93: {  	s2 =	sld [smem:$0x3FFC];
	_ =	sdelay $0x3  }
0x94: {  	_ =	strace s2  }
0x95: {  	s2 =	sld [smem:$0x3FFD];
	_ =	sdelay $0x3  }
0x96: {  	_ =	strace s2  }
0x97: {  	_ =	strace $0x8FFFFFFF  }
0x98: {  	s18 =	sld [smem:$0x3FDB];
	_ =	sdelay $0x1  }
0x99: {  	s19 =	simm.s32 $_scs_section_size  }
0x9a: {  	s4 =	simm.s32 $_size__tile_overlayer_lowered;
	s5 =	simm.s32 $_tile_overlayer_lowered  }
0x9b: {  	s22 =	simm.s32 $0x1BFF;
	s21 =	sshll.u32 s5, $0x1;
	s2 =	sadd.s32 s19, s18  }
0x9c: {  	s6 =	simm.s32 $0x0;
	s20 =	sshll.u32 s4, $0x1;
	s4 =	sadd.s32 s21, s2  }
0x9d: {  	[timem:s6], [sflag:s22] =	dma.local [hbm:s4], s20  }
0x9e: {  	_ =	swait.ge [sflag:s22], s20  }
0x9f: {  	s3 =	ssub.s32 $0x0, s20;
	[sflag:s22] =	ssyncset.done $0x0  }
0xa0: {  	[sflag:s22] =	ssyncadd.s32 s3;
	_ =	sdelay $0x1  }
0xa1: {  	s23 =	simm.s32 $0x1B8B  }
0xa2: {  	_ =	swait.ge [sflag:s23], $0x1  }
0xa3: {  	[sflag:s23] =	ssyncset.done $0x0  }
0xa4: {  	s25 =	simm.s32 $0x1B8E;
	s24 =	sld [smem:$0x3FFE];
	[sflag:s23] =	ssyncadd.s32 $0xFFFFFFFF  }
0xa5: {  	s26 =	simm.s32 $execute0_lowered;
	[smem:$0x3FD2] =	sst s25  }
0xa6: {  	s4 =	sshll.u32 s26, $0x1;
	_ =	strace $0x8000004C;
	[dreg:$0x1] =	wrdreg $0xFFFFFFFF  }
0xa7: {  	s28 =	simm.s32 $_size_execute0_lowered;
	s2 =	sadd.s32 s2, s4;
	[dreg:$0x0] =	wrdreg $0x0  }
0xa8: {  	s4 =	sshll.u32 s28, $0x1;
	[dreg:$0x2] =	wrdreg s2  }
0xa9: {  	[dreg:$0x3] =	wrdreg s4  }
0xaa: {  	[dreg:$0x4] =	wrdreg $0xC0  }
0xab: {  	_ =	task [dreg:s6], $0x5FFFF  }
0xac: {  	[dreg:$0x1] =	wrdreg $0xFFFFFFFF  }
0xad: {  	[dreg:$0x0] =	wrdreg $0x60  }
0xae: {  	[dreg:$0x2] =	wrdreg s24  }
0xaf: {  	[dreg:$0x3] =	wrdreg $0xB7000  }
0xb0: {  	[dreg:$0x4] =	wrdreg $0x9  }
0xb1: {  	_ =	task.clear_ibuf [dreg:s6], $0x5FFFF;
	_ =	strace $0x9000004C  }
0xb2: {  	s29 =	simm.s32 $0x9;
	_ =	strace $0x8000004E  }
0xb3: {  	_ =	swait.ge [sflag:s29], $0x1  }
0xb4: {  	[sflag:s29] =	ssyncadd.s32 $0xFFFFFFFF  }
0xb5: {  	_ =	strace $0x9000004E  }
0xb6: {  	_ =	sfence  }
0xb7: {  	s30 =	sld [smem:$0x0];
	_ =	sdelay $0x2  }
0xb8: {  	s31 =	sshll.u32 s1, $0xD;
	s1 =	sshrl.u32 s1, $0x2  }
0xb9: {  	s3 =	sand.u32 $0x4000, s31;
	s1 =	sadd.s32 s1, s30  }
0xba: {  	s0 =	sor.u32 s3, s0;
	s1 =	sshll.u32 s1, $0x11  }
0xbb: {  	s0 =	sor.u32 s1, s0  }
0xbc: {  	s0 =	sadd.s32 $0x8F2B, s0  }
0xbd: {  	[sflag:s0] =	ssyncadd.remote.s32 $0x1  }
0xbe: {  	_ =	sfence.sel $0xFFFF  }
0xbf: {  	[dreg:$0x0] =	wrdreg $0xFFFFFFFF;
	(pc) =	sbr.abs _section_cstart, $3  }
0xc0: {  	[dreg:$0x1] =	wrdreg $0xFFFFFFFF  }
0xc1: {  	_ =	task.clear_ibuf [dreg:s6], $0x2FFFF;
	_ =	strace $0x9FFFFFFF  }
0xc2: {  	(tm) =	ssettm $0x7FFFFFFF  }
0xc3: {  	_ =	shalt  }
tec
execute0_lowered:
.L_overlay_start_1:
0x0: {  	(tag) =	ssettag $0x1  }
0x1: {  	s0 =	rddreg [dreg:$0x0]  }
0x2: {  	s1 =	rddreg [dreg:$0x1];
	s3 =	simm.s32 $0x0  }
0x3: {  	s2 =	srdreg.scid;
	s8 =	stileid.u32;
	s13 =	simm.s32 $0x4F  }
0x4: {  	s10 =	simm.s32 $0x1;
	s12 =	simm.s32 $0x80;
	s19 =	simm.s32 $0x5  }
0x5: {  	s28 =	simm.s32 $0x3;
	s31 =	simm.s32 $0x8F00;
	[smem:$0x7FF] =	sst s3  }
0x6: {  	s2 =	sand.u32 $0x1, s2;
	s5 =	smul.u32 $0x2800, s8;
	s6 =	sadd.s32 $0x2C00, s0  }
0x7: {  	_ =	strace $0x8000004D;
	s4 =	sshll.u32 s2, $0x4;
	s7 =	smul.u32 $0x28000, s2  }
0x8: {  	s2 =	ssub.s32 $0x2, s2;
	s8 =	sor.u32 s8, s4;
	s4 =	sadd.s32 $0x16600, s0  }
0x9: {  	s20 =	sshrl.u32 s2, $0x1;
	s11 =	sadd.s32 s5, s1;
	p0 =	slt.u32 s8, $0x4  }
0xa: {  	s7 =	sadd.s32 s5, s7;
	s9 =	smul.u32 $0x4E, s8;
	s2 =	ssub.s32 s2, s20  }
0xb: {  	s5 =	simm.s32 $0x2;
	s13 =	simm.s32 @!p0 $0x4E;
	p0 =	sgt.u32 s8, $0x3  }
0xc: {  	s8 =	smin.u32 s8, $0x4;
	s7 =	sshrl.u32 s7, $0x3;
	s10 =	simm.s32 @!p0 $0x0  }
0xd: {  	s8 =	sadd.s32 s8, s9;
	s0 =	sadd.s32 s7, s0;
	s7 =	simm.s32 $0x1  }
0xe: {  	s5 =	simm.s32 @!p0 $0x1;
	s19 =	simm.s32 @!p0 $0x4;
	s17 =	smov.u32 s13  }
0xf: {  	s8 =	ssub.s32 s8, s10;
	s22 =	sshll.u32 s5, $0xB;
	s5 =	sshll.u32 s5, $0x7  }
0x10: {  	s26 =	sshll.u32 s10, $0xB;
	s30 =	sshll.u32 s10, $0x7;
	s8 =	sshll.u32 s8, $0x7  }
0x11: {  	s29 =	sadd.s32 s10, s13;
	s21 =	sshrl.u32 s8, $0x3;
	s8 =	sadd.s32 $0x4E200, s8  }
0x12: {  	[dreg:$0x8] =	wrdreg s5;
	s9 =	sadd.s32 s6, s21;
	s8 =	sshrl.u32 s8, $0x3  }
0x13: {  	s21 =	sadd.s32 $0x1B600, s0;
	s0 =	simm.s32 $0x0;
	[dreg:$0x3] =	wrdreg s9  }
0x14: {  	s9 =	simm.s32 $0x5700;
	s6 =	sadd.s32 s6, s8;
	s8 =	sadd.s32 $0x4F00, s22  }
0x15: {  	[dreg:$0x5] =	wrdreg s6;
	s9 =	simm.s32 @!p0 $0x4F00;
	s6 =	simm.s32 $0x80  }
0x16: {  	s22 =	smax.u32 s2, $0x1;
	[dreg:$0x4] =	wrdreg s9;
	s6 =	simm.s32 @!p0 $0x0  }
0x17: {  	s9 =	simm.s32 $0x4;
	[dreg:$0x6] =	wrdreg s6;
	s6 =	simm.s32 $0x3  }
0x18: {  	[dreg:$0x7] =	wrdreg s8;
	s9 =	simm.s32 @!p0 $0x3;
	s6 =	simm.s32 @!p0 $0x2  }
0x19: {  	s25 =	sshll.u32 s9, $0xB;
	s20 =	sshll.u32 s9, $0x7;
	s9 =	sor.u32 $0x200, s30  }
0x1a: {  	s23 =	sshll.u32 s6, $0xB;
	s6 =	sshll.u32 s6, $0x7;
	s18 =	sadd.s32 $0x4F00, s25  }
0x1b: {  	s25 =	sadd.s32 $0x2780, s30;
	s24 =	sadd.s32 $0x4F00, s23;
	[dreg:$0xa] =	wrdreg s6  }
0x1c: {  	v0 =	vimm.f32 $0.0e+00;
	s23 =	sor.u32 $0x2000, s26;
	s26 =	simm.s32 $0x2;
	[dreg:$0x9] =	wrdreg s24  }
.LBB2_1:
0x1d: {  	s2 =	rddreg [dreg:$0x3]  }
0x1e: {  	[tilespmem:s3], [sflag:$0x3] =	stream.linear.gather [hbm4b:s2+s3], $0x2780, $0x38;
	[tilespmem:$0xDF00] =	vst v63  }
0x1f: {  	_ =	swait.ge [sflag:s28], $0x2780  }
0x20: {  	[sflag:s28] =	ssyncset.done $0x0  }
0x21: {  	s5 =	simm.s32 $0x2780;
	s30 =	rddreg [dreg:$0x5];
	[sflag:s28] =	ssyncadd.s32 $0xFFFFD880  }
0x22: {  	[tilespmem:s5], [sflag:$0x3] =	stream.linear.gather [hbm4b:s30+s3], $0x2780, $0x38;
	[tilespmem:$0xDF00] =	vst v63  }
0x23: {  	_ =	swait.ge [sflag:s28], $0x2780  }
0x24: {  	[sflag:s28] =	ssyncset.done $0x0  }
0x25: {  	s2 =	simm.s32 $0x40;
	s5 =	simm.s32 $0x0;
	[sflag:s28] =	ssyncadd.s32 $0xFFFFD880  }
.LBB2_2:
0x26: {  	p0 =	sne.s32 s2, $0x9FC0;
	[tilespmem:s5+$0x8F00] =	vst v0;
	s5 =	smov.u32 s2;
	s2 =	sadd.s32 $0x40, s2  }
.Ltmp0:
0x27: {  	(pc) =	sbr.rel @p0 .LBB2_2-.Ltmp0, $2  }
0x28: {  	_ =	sdelay $0x2  }
0x29: {  	s5 =	sshra.s32 s5, $0x2  }
0x2a: {  	[tilespmem:s5+$0x8F00] =	vst v0  }
0x2b: {  	[spmem:s11] =	stream.linear.scatter [tilespmem:s31], [sflag:$0x3], $0x2800, $0x38;
	[tilespmem:$0xDF00] =	vst v63  }
0x2c: {  	_ =	swait.ge [sflag:s28], $0x2800  }
0x2d: {  	[sflag:s28] =	ssyncset.done $0x0  }
0x2e: {  	[sflag:s28] =	ssyncadd.s32 $0xFFFFD800  }
0x2f: {  	[bflag:$0x0] =	sbarrier.arrive $0xFFFF  }
0x30: {  	s2 =	rddreg [dreg:$0x4]  }
0x31: {  	s6 =	rddreg [dreg:$0x6]  }
0x32: {  	s16 =	sadd.s32 $0x4, s10;
	s8 =	rddreg [dreg:$0x7]  }
0x33: {  	p0 =	sge.u32 s16, s29;
	s13 =	rddreg [dreg:$0x8]  }
0x34: {  	[tilespmem:s2], [sflag:$0x1] =	stream.indirect.gather [hbm4b:s4+s12], $0x10, s6, s12, $0xb8;
	[tilespmem:$0xDF00] =	vst v63  }
0x35: {  	s30 =	sadd.s32 $0x80, s25;
	p1 =	slt.u32 @!p0 s10, s19;
	s14 =	rddreg [dreg:$0x9]  }
0x36: {  	[tilespmem:s8], [sflag:$0x1] =	stream.indirect.gather [hbm4b:s4+s12], $0x10, s13, s12, $0xb8;
	[tilespmem:$0xDF00] =	vst v63  }
0x37: {  	s15 =	rddreg [dreg:$0xa];
	s2 =	sadd.s32 $0xFFFFFFFF, s17;
	s6 =	sadd.s32 $0xFFFFE000, s23  }
0x38: {  	[tilespmem:s14], [sflag:$0x1] =	stream.indirect.gather [hbm4b:s4+s12], $0x10, s15, s12, $0xb8;
	[tilespmem:$0xDF00] =	vst v63  }
0x39: {  	p1 =	por p1, p0;
	p2 =	sne.s32 s2, $0x0;
	s24 =	sand.u32 $0x3800, s6  }
0x3a: {  	[tilespmem:s18], [sflag:$0x1] =	stream.indirect.gather [hbm4b:s4+s12], $0x10, s20, s12, $0xb8;
	[tilespmem:$0xDF00] =	vst v63  }
0x3b: {  	s6 =	sand.u32 @!p0 $0x3800, s23;
	s5 =	sadd.s32 $0x4F00, s24;
	_ =	swait.ge [sflag:s7], $0x800  }
.Ltmp1:
0x3c: {  	s13 =	simm.s32 @!p0 $0x80;
	[sflag:s7] =	ssyncset.done $0x0;
	(pc) =	sbr.rel @!p2 .LBB2_5-.Ltmp1, $4  }
0x3d: {  	s8 =	sadd.s32 $0x800, s23;
	s14 =	simm.s32 @!p1 $0x2;
	[sflag:s7] =	ssyncadd.s32 $0xFFFFF800  }
0x3e: {  	[spmem:s1] =	stream.indirect.scatter.add.f32 [tilespmem:s5], [sflag:$0x2], $0x10, s25, s12, $0xb8;
	[tilespmem:$0xDF00] =	vst v63  }
0x3f: {  	s24 =	smov.u32 s9;
	s15 =	sadd.s32 @!p0 $0x4F00, s6;
	_ =	swait.ge @!p1 [sflag:s14], $0x800  }
0x40: {  	s6 =	smov.u32 s10;
	s5 =	sadd.s32 $0x80, s9;
	[sflag:s14] =	ssyncset.done @!p1 $0x0  }
.LBB2_4:
0x41: {  	s2 =	sadd.s32 $0xFFFFFFFF, s2;
	[sflag:s14] =	ssyncadd.s32 @!p1 $0xFFFFF800;
	s6 =	sadd.s32 $0x1, s6  }
0x42: {  	[tilespmem:s15], [sflag:$0x1] =	stream.indirect.gather @!p0 [hbm4b:s4+s13], $0x10, s24, s13, $0xb8;
	[tilespmem:$0xDF00] =	vst v63  }
0x43: {  	p2 =	sne.s32 s2, $0x0;
	s13 =	smov.u32 s30;
	s24 =	smov.u32 s5  }
0x44: {  	s14 =	sadd.s32 $0x4, s6;
	s15 =	sadd.s32 $0xFFFFE000, s8  }
0x45: {  	p0 =	sge.u32 s14, s29;
	s14 =	sand.u32 $0x3800, s15;
	_ =	swait.ge [sflag:s7], $0x800  }
0x46: {  	p1 =	slt.u32 @!p0 s6, s19;
	s15 =	sadd.s32 $0x4F00, s14;
	[sflag:s7] =	ssyncset.done $0x0  }
.Ltmp2:
0x47: {  	p1 =	por p1, p0;
	[sflag:s7] =	ssyncadd.s32 $0xFFFFF800;
	(pc) =	sbr.rel @p2 .LBB2_4-.Ltmp2, $4  }
0x48: {  	s30 =	sadd.s32 $0x80, s30;
	s16 =	sand.u32 @!p0 $0x3800, s8;
	s14 =	simm.s32 @!p1 $0x2  }
0x49: {  	[spmem:s1] =	stream.indirect.scatter.add.f32 [tilespmem:s15], [sflag:$0x2], $0x10, s13, s12, $0xb8;
	[tilespmem:$0xDF00] =	vst v63  }
0x4a: {  	s5 =	sadd.s32 $0x80, s5;
	s15 =	sadd.s32 @!p0 $0x4F00, s16;
	_ =	swait.ge @!p1 [sflag:s14], $0x800  }
0x4b: {  	s8 =	sadd.s32 $0x800, s8;
	s13 =	simm.s32 @!p0 $0x80;
	[sflag:s14] =	ssyncset.done @!p1 $0x0  }
.LBB2_5:
0x4c: {  	[sflag:s14] =	ssyncadd.s32 @!p1 $0xFFFFF800  }
0x4d: {  	[tilespmem:s15], [sflag:$0x1] =	stream.indirect.gather @!p0 [hbm4b:s4+s13], $0x10, s24, s13, $0xb8;
	[tilespmem:$0xDF00] =	vst v63  }
0x4e: {  	_ =	swait.ge [sflag:s26], $0x800  }
0x4f: {  	[sflag:s26] =	ssyncset.done $0x0  }
0x50: {  	[sflag:s26] =	ssyncadd.s32 $0xFFFFF800  }
0x51: {  	_ =	swait.ge [sflag:s26], $0x800  }
0x52: {  	[sflag:s26] =	ssyncset.done $0x0  }
0x53: {  	[sflag:s26] =	ssyncadd.s32 $0xFFFFF800  }
0x54: {  	_ =	swait.ge [sflag:s26], $0x800  }
0x55: {  	[sflag:s26] =	ssyncset.done $0x0  }
0x56: {  	[sflag:s26] =	ssyncadd.s32 $0xFFFFF800  }
0x57: {  	_ =	swait.ge [sflag:s26], $0x800  }
0x58: {  	[sflag:s26] =	ssyncset.done $0x0  }
0x59: {  	[sflag:s26] =	ssyncadd.s32 $0xFFFFF800  }
0x5a: {  	_ =	swait.ge [sflag:s26], $0x800  }
0x5b: {  	[sflag:s26] =	ssyncset.done $0x0  }
0x5c: {  	[sflag:s26] =	ssyncadd.s32 $0xFFFFF800  }
0x5d: {  	_ =	swait.ge [sflag:s26], $0x800  }
0x5e: {  	[sflag:s26] =	ssyncset.done $0x0  }
0x5f: {  	[sflag:s26] =	ssyncadd.s32 $0xFFFFF800  }
0x60: {  	_ =	swait.ge [sflag:s26], $0x800  }
0x61: {  	[sflag:s26] =	ssyncset.done $0x0  }
0x62: {  	[sflag:s26] =	ssyncadd.s32 $0xFFFFF800  }
0x63: {  	_ =	swait.ge [sflag:s26], $0x800  }
0x64: {  	[sflag:s26] =	ssyncset.done $0x0  }
0x65: {  	[sflag:s26] =	ssyncadd.s32 $0xFFFFF800  }
0x66: {  	[bflag:$0x0] =	sbarrier.arrive $0xFFFF  }
0x67: {  	[tilespmem:s31], [sflag:$0x3] =	stream.linear.gather [spmem:s11], $0x2800, $0x38;
	[tilespmem:$0xDF00] =	vst v63  }
0x68: {  	s0 =	sadd.s32 $0x1, s0;
	_ =	swait.ge [sflag:s28], $0x2800  }
0x69: {  	p0 =	sne.s32 s0, s22;
	[sflag:s28] =	ssyncset.done $0x0  }
.Ltmp3:
0x6a: {  	[sflag:s28] =	ssyncadd.s32 $0xFFFFD800;
	(pc) =	sbr.rel @p0 .LBB2_1-.Ltmp3, $4  }
0x6b: {  	[hbm4b:s21+s3] =	stream.linear.scatter [tilespmem:s31], [sflag:$0x3], $0x2800, $0x38;
	[tilespmem:$0xDF00] =	vst v63  }
0x6c: {  	_ =	swait.ge [sflag:s28], $0x2800  }
0x6d: {  	[sflag:s28] =	ssyncset.done $0x0  }
0x6e: {  	[sflag:s28] =	ssyncadd.s32 $0xFFFFD800  }
0x6f: {  	_ =	sfence.sel $0x180000  }
0x70: {  	[bflag:$0x0] =	sbarrier.arrive $0xFFFF  }
0x71: {  	_ =	strace $0x9000004D  }
0x72: {  	s0 =	stileid.u32;
	[bflag:$0x2] =	sbarrier.arrive $0xFFFF  }
0x73: {  	p0 =	sne.s32 s0, $0x0;
	s0 =	rddreg [dreg:$0x2]  }
0x74: {  	s0 =	sadd.s32 @!p0 $0x100000, s0  }
0x75: {  	[sflag:s0] =	ssyncadd.tile.s32 @!p0 $0x1;
	_ =	shalt  }
.Lfunc_end2:
_tile_overlayer_lowered:
.L_overlay_start_2:
0x76: {  	(tag) =	ssettag $0x2  }
0x77: {  	s0 =	rddreg [dreg:$0x0];
	s2 =	stileid.u32  }
0x78: {  	s1 =	rddreg [dreg:$0x1];
	p0 =	sne.s32 s2, $0x0  }
0x79: {  	s3 =	rddreg [dreg:$0x2];
	[bflag:$0x3] =	sbarrier.arrive $0xFFFF;
	s2 =	simm.s32 @!p0 $0x1C03  }
0x7a: {  	[timem:s3], [sflag:s2] =	dma.local @!p0 [hbm:s0], s1  }
0x7b: {  	s0 =	simm.s32 @!p0 $0x3  }
0x7c: {  	_ =	swait.ge @!p0 [sflag:s0], s1  }
0x7d: {  	s1 =	ssub.s32 @!p0 $0x0, s1;
	[sflag:s0] =	ssyncset.done @!p0 $0x0  }
0x7e: {  	[sflag:s0] =	ssyncadd.s32 @!p0 s1  }
0x7f: {  	[bflag:$0x3] =	sbarrier.arrive $0xFFFF  }
0x80: {  	_ =	shalt  }

// kernel: kernel.8.cloned.1.call-start
scs
__scs_entry_jumppad:
0x0: {  	(pc) =	sbr.rel $0x88, $3  }
0x1: {  	(tag) =	ssettag $0x0;
	lr =	simm.s32 $0x1  }
0x2: {  	[smem:$0x3F9B] =	sst lr;
	_ =	strace $0xD0000000  }
0x3: {  	_ = 	snop  }
0x4: {  	_ = 	snop  }
0x5: {  	_ = 	snop  }
0x6: {  	_ = 	snop  }
0x7: {  	_ = 	snop  }
__scs_overlays_trampoline_lowered:
0x8: {  	[smem:$0x3FAA] =	sst s0  }
0x9: {  	[smem:$0x3FAB] =	sst s1  }
0xa: {  	[smem:$0x3FAC] =	sst s2  }
0xb: {  	[smem:$0x3FAD] =	sst s3  }
0xc: {  	[smem:$0x3FAE] =	sst s4  }
0xd: {  	[smem:$0x3FAF] =	sst s5  }
0xe: {  	[smem:$0x3FB0] =	sst s6  }
0xf: {  	[smem:$0x3FB1] =	sst s7  }
0x10: {  	[smem:$0x3FB2] =	sst s8  }
0x11: {  	[smem:$0x3FB3] =	sst s9;
	s0 =	simm.s32 @!p0 $0x0  }
0x12: {  	s1 =	sld [smem:$0x3F99];
	s0 =	simm.s32 @p0 $0x1  }
0x13: {  	[smem:$0x3FB4] =	sst s0;
	s0 =	simm.s32 @!p1 $0x0  }
0x14: {  	s2 =	sld [smem:$0x3F98];
	s0 =	simm.s32 @p1 $0x1  }
0x15: {  	[smem:$0x3FB5] =	sst s0;
	s0 =	simm.s32 @!p2 $0x0  }
0x16: {  	s3 =	sld [smem:$0x3FDB];
	s0 =	simm.s32 @p2 $0x1  }
0x17: {  	s4 =	simm.s32 $0x1BF5;
	[smem:$0x3FB7] =	sst s0  }
0x18: {  	s0 =	sld [smem:$0x3F9A];
	_ =	swait.ge [sflag:s4], $0x0  }
0x19: {  	s7 =	sld [smem:$0x3F9B]  }
0x1a: {  	s8 =	sadd.s32 $0xFFFFE003, lr  }
0x1b: {  	s9 =	sadd.s32 $0xFFFFFEF7, lr;
	s5 =	simm.s32 $0xFFFFFFFF;
	p2 =	slt.u32 s8, $0xFFFFF086  }
0x1c: {  	p1 =	slt.u32 s9, $0xF7A;
	s5 =	simm.s32 @!p2 $0x0  }
0x1d: {  	s5 =	simm.s32 @p1 $0x1;
	p0 =	seq.s32 s7, s2  }
0x1e: {  	s7 =	smul.u32 @!p0 $0xF7A, s2;
	p2 =	seq.s32 @!p0 s5, $0x0  }
0x1f: {  	s9 =	smul.u32 $0xF7A, s1;
	s8 =	simm.s32 @!p0 $0x1BF5;
	p2 =	por !p2, p0  }
0x20: {  	[sflag:s8] =	ssyncset.s32 @!p0 $0xFFFFF086;
	s6 =	sadd.s32 @!p0 s3, s7;
	s7 =	simm.s32 @!p0 $0x108  }
0x21: {  	s3 =	sadd.s32 s3, s9;
	s6 =	sadd.s32 @!p0 $0x88, s6;
	s7 =	simm.s32 @p2 $0x1082  }
0x22: {  	[simem:s7], [sflag:s8] =	dma.local @!p0 [hbm:s6], $0xF7A  }
0x23: {  	s9 =	sor.u32 $0xD0000000, s2;
	s6 =	simm.s32 $0x108;
	_ =	swait.ge @!p0 [sflag:s8], $0x0  }
0x24: {  	s3 =	sadd.s32 $0x88, s3;
	s6 =	simm.s32 @!p1 $0x1082;
	[sflag:s4] =	ssyncset.s32 $0xFFFFF086  }
0x25: {  	[simem:s6], [sflag:s4] =	dma.local [hbm:s3], $0xF7A  }
0x26: {  	[smem:$0x3F9B] =	sst s1;
	(tag) =	ssettag s2;
	_ =	strace s9  }
0x27: {  	s1 =	sld [smem:$0x3FAB]  }
0x28: {  	s2 =	sld [smem:$0x3FAC]  }
0x29: {  	s4 =	sld [smem:$0x3FAE]  }
0x2a: {  	p0 =	seq.s32 s5, $0x0;
	s5 =	sld [smem:$0x3FAF]  }
0x2b: {  	s6 =	sld [smem:$0x3FB0]  }
0x2c: {  	s7 =	sld [smem:$0x3FB1]  }
0x2d: {  	s3 =	simm.s32 $0x108;
	s8 =	sld [smem:$0x3FB2]  }
0x2e: {  	s3 =	simm.s32 @!p0 $0x1082;
	s9 =	sld [smem:$0x3FB3]  }
0x2f: {  	lr =	sadd.s32 s0, s3;
	s0 =	sld [smem:$0x3FAA]  }
0x30: {  	s3 =	sld [smem:$0x3FAD]  }
0x31: {  	[smem:$0x3FB6] =	sst s10  }
0x32: {  	s10 =	sld [smem:$0x3FB4];
	_ =	sdelay $0x3  }
0x33: {  	p0 =	seq.s32 s10, $0x1;
	s10 =	sld [smem:$0x3FB6];
	_ =	sdelay $0x3  }
0x34: {  	[smem:$0x3FB6] =	sst s10  }
0x35: {  	s10 =	sld [smem:$0x3FB5];
	_ =	sdelay $0x3  }
0x36: {  	p1 =	seq.s32 s10, $0x1;
	s10 =	sld [smem:$0x3FB6];
	_ =	sdelay $0x3  }
0x37: {  	[smem:$0x3FB6] =	sst s10  }
0x38: {  	s10 =	sld [smem:$0x3FB7]  }
0x39: {  	_ = 	snop;
	(pc) =	sbr.ind lr, $3  }
0x3a: {  	_ = 	snop  }
0x3b: {  	_ = 	snop  }
0x3c: {  	p2 =	seq.s32 s10, $0x1;
	s10 =	sld [smem:$0x3FB6]  }
0x3d: {  	_ =	shalt  }
0x3e: {  	_ =	shalt  }
0x3f: {  	_ =	shalt  }
0x40: {  	_ =	shalt  }
0x41: {  	_ =	shalt  }
0x42: {  	_ =	shalt  }
0x43: {  	_ =	shalt  }
0x44: {  	_ =	shalt  }
0x45: {  	_ =	shalt  }
0x46: {  	_ =	shalt  }
0x47: {  	_ =	shalt  }
0x48: {  	_ =	shalt  }
0x49: {  	_ =	shalt  }
0x4a: {  	_ =	shalt  }
0x4b: {  	_ =	shalt  }
0x4c: {  	_ =	shalt  }
0x4d: {  	_ =	shalt  }
0x4e: {  	_ =	shalt  }
0x4f: {  	_ =	shalt  }
0x50: {  	_ =	shalt  }
0x51: {  	_ =	shalt  }
0x52: {  	_ =	shalt  }
0x53: {  	_ =	shalt  }
0x54: {  	_ =	shalt  }
0x55: {  	_ =	shalt  }
0x56: {  	_ =	shalt  }
0x57: {  	_ =	shalt  }
0x58: {  	_ =	shalt  }
0x59: {  	_ =	shalt  }
0x5a: {  	_ =	shalt  }
0x5b: {  	_ =	shalt  }
0x5c: {  	_ =	shalt  }
0x5d: {  	_ =	shalt  }
0x5e: {  	_ =	shalt  }
0x5f: {  	_ =	shalt  }
0x60: {  	_ =	shalt  }
0x61: {  	_ =	shalt  }
0x62: {  	_ =	shalt  }
0x63: {  	_ =	shalt  }
0x64: {  	_ =	shalt  }
0x65: {  	_ =	shalt  }
0x66: {  	_ =	shalt  }
0x67: {  	_ =	shalt  }
0x68: {  	_ =	shalt  }
0x69: {  	_ =	shalt  }
0x6a: {  	_ =	shalt  }
0x6b: {  	_ =	shalt  }
0x6c: {  	_ =	shalt  }
0x6d: {  	_ =	shalt  }
0x6e: {  	_ =	shalt  }
0x6f: {  	_ =	shalt  }
0x70: {  	_ =	shalt  }
0x71: {  	_ =	shalt  }
0x72: {  	_ =	shalt  }
0x73: {  	_ =	shalt  }
0x74: {  	_ =	shalt  }
0x75: {  	_ =	shalt  }
0x76: {  	_ =	shalt  }
0x77: {  	_ =	shalt  }
0x78: {  	_ =	shalt  }
0x79: {  	_ =	shalt  }
0x7a: {  	_ =	shalt  }
0x7b: {  	_ =	shalt  }
0x7c: {  	_ =	shalt  }
0x7d: {  	_ =	shalt  }
0x7e: {  	_ =	shalt  }
0x7f: {  	_ =	shalt  }
0x80: {  	_ =	shalt  }
0x81: {  	_ =	shalt  }
0x82: {  	_ =	shalt  }
0x83: {  	_ =	shalt  }
0x84: {  	_ =	shalt  }
0x85: {  	_ =	shalt  }
0x86: {  	_ =	shalt  }
0x87: {  	_ =	shalt  }
.Lfunc_end0:
.L_simem_size_0:
called_computation_lowered:
.L_overlay_start_0:
0x88: {  	s2 =	sld [smem:$0x3FD9]  }
0x89: {  	s3 =	sld [smem:$0x3FFE];
	_ =	sdelay $0x1  }
0x8a: {  	s1 =	srdreg.scid  }
0x8b: {  	s0 =	sand.u32 $0x1, s1  }
0x8c: {  	s16 =	sshll.u32 s0, $0xA;
	s2 =	sadd.s32 s3, s2  }
0x8d: {  	s2 =	sadd.s32 s2, s16  }
0x8e: {  	[smem:$0x3FC2] =	sst s2  }
0x8f: {  	_ = 	snop  }
0x90: {  	(tm) =	ssettm $0x1  }
0x91: {  	s17 =	sld [smem:$0x3FFB];
	_ =	sdelay $0x3  }
0x92: {  	_ =	strace s17  }
0x93: {  	s2 =	sld [smem:$0x3FFC];
	_ =	sdelay $0x3  }
0x94: {  	_ =	strace s2  }
0x95: {  	s2 =	sld [smem:$0x3FFD];
	_ =	sdelay $0x3  }
0x96: {  	_ =	strace s2  }
0x97: {  	_ =	strace $0x8FFFFFFF  }
0x98: {  	s18 =	sld [smem:$0x3FDB];
	_ =	sdelay $0x1  }
0x99: {  	s19 =	simm.s32 $_scs_section_size  }
0x9a: {  	s4 =	simm.s32 $_size__tile_overlayer_lowered;
	s5 =	simm.s32 $_tile_overlayer_lowered  }
0x9b: {  	s22 =	simm.s32 $0x1BFF;
	s21 =	sshll.u32 s5, $0x1;
	s2 =	sadd.s32 s19, s18  }
0x9c: {  	s6 =	simm.s32 $0x0;
	s20 =	sshll.u32 s4, $0x1;
	s4 =	sadd.s32 s21, s2  }
0x9d: {  	[timem:s6], [sflag:s22] =	dma.local [hbm:s4], s20  }
0x9e: {  	_ =	swait.ge [sflag:s22], s20  }
0x9f: {  	s3 =	ssub.s32 $0x0, s20;
	[sflag:s22] =	ssyncset.done $0x0  }
0xa0: {  	[sflag:s22] =	ssyncadd.s32 s3;
	_ =	sdelay $0x1  }
0xa1: {  	s23 =	simm.s32 $0x1B8B  }
0xa2: {  	_ =	swait.ge [sflag:s23], $0x1  }
0xa3: {  	[sflag:s23] =	ssyncset.done $0x0  }
0xa4: {  	s25 =	simm.s32 $0x1B8E;
	s24 =	sld [smem:$0x3FFE];
	[sflag:s23] =	ssyncadd.s32 $0xFFFFFFFF  }
0xa5: {  	s26 =	simm.s32 $execute0_lowered;
	[smem:$0x3FD2] =	sst s25  }
0xa6: {  	s4 =	sshll.u32 s26, $0x1;
	_ =	strace $0x80000046;
	[dreg:$0x1] =	wrdreg $0xFFFFFFFF  }
0xa7: {  	s28 =	simm.s32 $_size_execute0_lowered;
	s2 =	sadd.s32 s2, s4;
	[dreg:$0x0] =	wrdreg $0x0  }
0xa8: {  	s4 =	sshll.u32 s28, $0x1;
	[dreg:$0x2] =	wrdreg s2  }
0xa9: {  	[dreg:$0x3] =	wrdreg s4  }
0xaa: {  	[dreg:$0x4] =	wrdreg $0xC0  }
0xab: {  	_ =	task [dreg:s6], $0x5FFFF  }
0xac: {  	[dreg:$0x1] =	wrdreg $0xFFFFFFFF  }
0xad: {  	[dreg:$0x0] =	wrdreg $0x60  }
0xae: {  	[dreg:$0x2] =	wrdreg s24  }
0xaf: {  	[dreg:$0x3] =	wrdreg $0x52800  }
0xb0: {  	[dreg:$0x4] =	wrdreg $0x9  }
0xb1: {  	_ =	task.clear_ibuf [dreg:s6], $0x5FFFF;
	_ =	strace $0x90000046  }
0xb2: {  	s29 =	simm.s32 $0x9;
	_ =	strace $0x80000048  }
0xb3: {  	_ =	swait.ge [sflag:s29], $0x1  }
0xb4: {  	[sflag:s29] =	ssyncadd.s32 $0xFFFFFFFF  }
0xb5: {  	_ =	strace $0x90000048  }
0xb6: {  	_ =	sfence  }
0xb7: {  	s30 =	sld [smem:$0x0];
	_ =	sdelay $0x2  }
0xb8: {  	s31 =	sshll.u32 s1, $0xD;
	s1 =	sshrl.u32 s1, $0x2  }
0xb9: {  	s3 =	sand.u32 $0x4000, s31;
	s1 =	sadd.s32 s1, s30  }
0xba: {  	s0 =	sor.u32 s3, s0;
	s1 =	sshll.u32 s1, $0x11  }
0xbb: {  	s0 =	sor.u32 s1, s0  }
0xbc: {  	s0 =	sadd.s32 $0x8F2B, s0  }
0xbd: {  	[sflag:s0] =	ssyncadd.remote.s32 $0x1  }
0xbe: {  	_ =	sfence.sel $0xFFFF  }
0xbf: {  	[dreg:$0x0] =	wrdreg $0xFFFFFFFF;
	(pc) =	sbr.abs _section_cstart, $3  }
0xc0: {  	[dreg:$0x1] =	wrdreg $0xFFFFFFFF  }
0xc1: {  	_ =	task.clear_ibuf [dreg:s6], $0x2FFFF;
	_ =	strace $0x9FFFFFFF  }
0xc2: {  	(tm) =	ssettm $0x7FFFFFFF  }
0xc3: {  	_ =	shalt  }
tec
execute0_lowered:
.L_overlay_start_1:
0x0: {  	(tag) =	ssettag $0x1  }
0x1: {  	s6 =	rddreg [dreg:$0x0]  }
0x2: {  	s0 =	srdreg.scid;
	s2 =	rddreg [dreg:$0x1];
	s10 =	simm.s32 $0x1  }
0x3: {  	s13 =	simm.s32 $0x2780;
	s14 =	simm.s32 $0x2A80;
	s5 =	sand.u32 $0x1, s0  }
0x4: {  	s15 =	simm.s32 $0x0;
	s0 =	stileid.u32;
	s8 =	smul.u32 $0x28000, s5  }
0x5: {  	s1 =	sshll.u32 s5, $0x4;
	s9 =	smul.u32 $0x2800, s0;
	s5 =	ssub.s32 $0x2, s5  }
0x6: {  	s30 =	smul.u32 $0xA00, s0;
	s7 =	sor.u32 s0, s1;
	s1 =	rddreg [dreg:$0x2]  }
0x7: {  	s29 =	sshrl.u32 s5, $0x1;
	s3 =	smul.u32 $0x4E, s7;
	p0 =	sgt.u32 s7, $0x3  }
0x8: {  	s4 =	smin.u32 s7, $0x4;
	s8 =	sadd.s32 s9, s8;
	s12 =	ssub.s32 s5, s29  }
0x9: {  	s5 =	simm.s32 $0x4F;
	s31 =	sshrl.u32 s30, $0x2;
	s10 =	simm.s32 @!p0 $0x0  }
0xa: {  	s8 =	sshrl.u32 s8, $0x3;
	p0 =	slt.u32 s7, $0x4;
	s4 =	sadd.s32 s4, s3  }
0xb: {  	s7 =	sadd.s32 s31, s2;
	s9 =	smax.u32 s12, $0x1;
	s4 =	ssub.s32 s4, s10  }
0xc: {  	s12 =	simm.s32 $0x80;
	s3 =	simm.s32 $0x0;
	s4 =	sshll.u32 s4, $0x7  }
0xd: {  	s8 =	sadd.s32 s8, s6;
	s5 =	simm.s32 @!p0 $0x4E;
	s11 =	sadd.s32 $0x4E200, s4  }
0xe: {  	[smem:$0x7FF] =	sst s3;
	s8 =	sadd.s32 $0x16600, s8;
	s11 =	sshrl.u32 s11, $0x3  }
0xf: {  	s10 =	sshll.u32 s10, $0x7;
	_ =	strace $0x80000047;
	s28 =	sadd.s32 s11, s6  }
0x10: {  	v0 =	vimm.f32 $1.000000000e+00;
	v1 =	vimm.f32 $0.0e+00;
	s4 =	simm.s32 $0x1;
	s11 =	simm.s32 $0x2800;
	s6 =	sadd.s32 $0x2C00, s28  }
.LBB2_1:
0x11: {  	[tilespmem:s3], [sflag:$0x1] =	stream.linear.gather [hbm4b:s6+s3], $0x2780, $0x38;
	[tilespmem:$0x5500] =	vst v63  }
0x12: {  	_ =	swait.ge [sflag:s4], $0x2780  }
0x13: {  	[sflag:s4] =	ssyncset.done $0x0  }
0x14: {  	[sflag:s4] =	ssyncadd.s32 $0xFFFFD880  }
0x15: {  	[tilespmem:$0x2780] =	vst v0  }
0x16: {  	[tilespmem:$0x2790] =	vst v0  }
0x17: {  	[tilespmem:$0x27A0] =	vst v0  }
0x18: {  	[tilespmem:$0x27B0] =	vst v0  }
0x19: {  	[tilespmem:$0x27C0] =	vst v0  }
0x1a: {  	[tilespmem:$0x27D0] =	vst v0  }
0x1b: {  	[tilespmem:$0x27E0] =	vst v0  }
0x1c: {  	[tilespmem:$0x27F0] =	vst v0  }
0x1d: {  	[tilespmem:$0x2800] =	vst v1  }
0x1e: {  	[tilespmem:$0x2810] =	vst v1  }
0x1f: {  	[tilespmem:$0x2820] =	vst v1  }
0x20: {  	[tilespmem:$0x2830] =	vst v1  }
0x21: {  	[tilespmem:$0x2840] =	vst v1  }
0x22: {  	[tilespmem:$0x2850] =	vst v1  }
0x23: {  	[tilespmem:$0x2860] =	vst v1  }
0x24: {  	[tilespmem:$0x2870] =	vst v1  }
0x25: {  	[tilespmem:$0x2880] =	vst v1  }
0x26: {  	[tilespmem:$0x2890] =	vst v1  }
0x27: {  	[tilespmem:$0x28A0] =	vst v1  }
0x28: {  	[tilespmem:$0x28B0] =	vst v1  }
0x29: {  	[tilespmem:$0x28C0] =	vst v1  }
0x2a: {  	[tilespmem:$0x28D0] =	vst v1  }
0x2b: {  	[tilespmem:$0x28E0] =	vst v1  }
0x2c: {  	[tilespmem:$0x28F0] =	vst v1  }
0x2d: {  	[tilespmem:$0x2900] =	vst v1  }
0x2e: {  	[tilespmem:$0x2910] =	vst v1  }
0x2f: {  	[tilespmem:$0x2920] =	vst v1  }
0x30: {  	[tilespmem:$0x2930] =	vst v1  }
0x31: {  	[tilespmem:$0x2940] =	vst v1  }
0x32: {  	[tilespmem:$0x2950] =	vst v1  }
0x33: {  	[tilespmem:$0x2960] =	vst v1  }
0x34: {  	[tilespmem:$0x2970] =	vst v1  }
0x35: {  	[tilespmem:$0x2980] =	vst v1  }
0x36: {  	[tilespmem:$0x2990] =	vst v1  }
0x37: {  	[tilespmem:$0x29A0] =	vst v1  }
0x38: {  	[tilespmem:$0x29B0] =	vst v1  }
0x39: {  	[tilespmem:$0x29C0] =	vst v1  }
0x3a: {  	[tilespmem:$0x29D0] =	vst v1  }
0x3b: {  	[tilespmem:$0x29E0] =	vst v1  }
0x3c: {  	[tilespmem:$0x29F0] =	vst v1  }
0x3d: {  	[tilespmem:$0x2A00] =	vst v1  }
0x3e: {  	[tilespmem:$0x2A10] =	vst v1  }
0x3f: {  	[tilespmem:$0x2A20] =	vst v1  }
0x40: {  	[tilespmem:$0x2A30] =	vst v1  }
0x41: {  	[tilespmem:$0x2A40] =	vst v1  }
0x42: {  	[tilespmem:$0x2A50] =	vst v1  }
0x43: {  	[tilespmem:$0x2A60] =	vst v1  }
0x44: {  	[tilespmem:$0x2A70] =	vst v1  }
0x45: {  	[spmem:s7] =	stream.linear.scatter [tilespmem:s11], [sflag:$0x1], $0x280, $0x38;
	[tilespmem:$0x5500] =	vst v63  }
0x46: {  	_ =	swait.ge [sflag:s4], $0x280  }
0x47: {  	p0 =	sne.s32 s5, $0x1;
	[sflag:s4] =	ssyncset.done $0x0  }
.Ltmp0:
0x48: {  	[sflag:s4] =	ssyncadd.s32 $0xFFFFFD80;
	(pc) =	sbr.rel @!p0 .LBB2_3-.Ltmp0, $4  }
0x49: {  	[bflag:$0x0] =	sbarrier.arrive $0xFFFF  }
0x4a: {  	[spmem:s2] =	stream.indirect.scatter.add.f32 [tilespmem:s13], [sflag:$0x1], $0x1, s10, s12, $0xb8;
	[tilespmem:$0x5500] =	vst v63  }
0x4b: {  	_ =	swait.ge [sflag:s4], $0x80  }
0x4c: {  	s16 =	sadd.s32 $0xFFFFFFFF, s5;
	s17 =	smov.u32 s10;
	[sflag:s4] =	ssyncset.done $0x0  }
.LBB2_2:
0x4d: {  	p0 =	sne.s32 s16, $0x1;
	[sflag:s4] =	ssyncadd.s32 $0xFFFFFF80;
	s17 =	sadd.s32 $0x80, s17  }
.Ltmp1:
0x4e: {  	s16 =	sadd.s32 $0xFFFFFFFF, s16;
	(pc) =	sbr.rel @p0 .LBB2_2-.Ltmp1, $4  }
0x4f: {  	_ = 	snop  }
0x50: {  	[spmem:s2] =	stream.indirect.scatter.add.f32 [tilespmem:s13], [sflag:$0x1], $0x1, s17, s12, $0xb8;
	[tilespmem:$0x5500] =	vst v63  }
0x51: {  	_ =	swait.ge [sflag:s4], $0x80  }
0x52: {  	[sflag:s4] =	ssyncset.done $0x0  }
.LBB2_3:
0x53: {  	[sflag:s4] =	ssyncadd.s32 $0xFFFFFF80;
	s16 =	simm.s32 $0x0  }
0x54: {  	[bflag:$0x0] =	sbarrier.arrive $0xFFFF;
	v2 =	vmov s16  }
0x55: {  	[tilespmem:s11], [sflag:$0x1] =	stream.linear.gather [spmem:s7], $0x280, $0x38;
	[tilespmem:$0x5500] =	vst v63  }
0x56: {  	_ =	swait.ge [sflag:s4], $0x280  }
0x57: {  	[sflag:s4] =	ssyncset.done $0x0  }
0x58: {  	[sflag:s4] =	ssyncadd.s32 $0xFFFFFD80  }
0x59: {  	s31 =	simm.s32 $0x1;
	v2 =	vld.idx.msk [tilespmem:v2+s11+$0x0], $0xffff  }
0x5a: {  	v3 =	vmov s31;
	_ =	sdelay $0x2  }
0x5b: {  	s16 =	simm.s32 $0x2A80  }
0x5c: {  	[tilespmem:s16+$0x0] =	vst v2  }
0x5d: {  	s17 =	simm.s32 $0x2;
	v2 =	vld.idx.msk [tilespmem:v3+s11+$0x0], $0xffff  }
0x5e: {  	v3 =	vmov s17;
	s17 =	simm.s32 $0x3  }
.LBB2_4:
0x5f: {  	p0 =	sne.s32 s17, $0x27F;
	_ =	sdelay $0x1  }
.Ltmp2:
0x60: {  	s16 =	sadd.s32 $0x10, s16;
	(pc) =	sbr.rel @p0 .LBB2_4-.Ltmp2, $3  }
0x61: {  	[tilespmem:s16+$0x0] =	vst v2  }
0x62: {  	v2 =	vld.idx.msk [tilespmem:v3+s11+$0x0], $0xffff;
	_ =	sdelay $0x1  }
0x63: {  	v3 =	vmov s17;
	s17 =	sadd.s32 $0x1, s17  }
0x64: {  	_ =	sdelay $0x1  }
0x65: {  	s16 =	sadd.s32 $0x10, s16  }
0x66: {  	[tilespmem:s16+$0x0] =	vst v2  }
0x67: {  	v2 =	vld.idx.msk [tilespmem:v3+s11+$0x0], $0xffff;
	_ =	sdelay $0x2  }
0x68: {  	s15 =	sadd.s32 $0x1, s15  }
0x69: {  	p0 =	sne.s32 s15, s9;
	s16 =	sadd.s32 $0x10, s16  }
.Ltmp3:
0x6a: {  	[tilespmem:s16+$0x0] =	vst v2;
	(pc) =	sbr.rel @p0 .LBB2_1-.Ltmp3, $4  }
0x6b: {  	[hbm4b:s8+s3] =	stream.linear.scatter [tilespmem:s14], [sflag:$0x1], $0x2800, $0x38;
	[tilespmem:$0x5500] =	vst v63  }
0x6c: {  	_ =	swait.ge [sflag:s4], $0x2800  }
0x6d: {  	[sflag:s4] =	ssyncset.done $0x0  }
0x6e: {  	[sflag:s4] =	ssyncadd.s32 $0xFFFFD800  }
0x6f: {  	_ =	sfence.sel $0x180000  }
0x70: {  	[bflag:$0x0] =	sbarrier.arrive $0xFFFF  }
0x71: {  	p0 =	sne.s32 s0, $0x0;
	_ =	strace $0x90000047  }
0x72: {  	s0 =	sadd.s32 @!p0 $0x100000, s1;
	[bflag:$0x2] =	sbarrier.arrive $0xFFFF  }
0x73: {  	[sflag:s0] =	ssyncadd.tile.s32 @!p0 $0x1;
	_ =	shalt  }
.Lfunc_end2:
_tile_overlayer_lowered:
.L_overlay_start_2:
0x74: {  	(tag) =	ssettag $0x2  }
0x75: {  	s0 =	rddreg [dreg:$0x0];
	s2 =	stileid.u32  }
0x76: {  	s1 =	rddreg [dreg:$0x1];
	p0 =	sne.s32 s2, $0x0  }
0x77: {  	s3 =	rddreg [dreg:$0x2];
	[bflag:$0x3] =	sbarrier.arrive $0xFFFF;
	s2 =	simm.s32 @!p0 $0x1C01  }
0x78: {  	[timem:s3], [sflag:s2] =	dma.local @!p0 [hbm:s0], s1  }
0x79: {  	s0 =	simm.s32 @!p0 $0x1  }
0x7a: {  	_ =	swait.ge @!p0 [sflag:s0], s1  }
0x7b: {  	s1 =	ssub.s32 @!p0 $0x0, s1;
	[sflag:s0] =	ssyncset.done @!p0 $0x0  }
0x7c: {  	[sflag:s0] =	ssyncadd.s32 @!p0 s1  }
0x7d: {  	[bflag:$0x3] =	sbarrier.arrive $0xFFFF  }
0x7e: {  	_ =	shalt  }

</sc_bundles>
